<compile_context>
chip_gen: v7x
topology: tpu7x:2x2x1
jax: 0.10.2.dev20260603
libtpu: 0.0.44.dev20260713+nightly
codegen_flags: <defaults>
</compile_context>

<pallas_src>
import functools

import jax
import jax.numpy as jnp
from jax import lax
from jax.experimental import pallas as pl
from jax.experimental.pallas import tpu as pltpu
from jax.experimental.pallas import tpu_sc as plsc

_G = 128
_LANES = 16
_CHROWS = 64


def _sc_extract_fn(N, C, NC, NS):
    NW = NC * NS
    bpw = N // NW
    nch = bpw // _CHROWS

    mesh = plsc.VectorSubcoreMesh(core_axis_name="c", subcore_axis_name="s")

    @functools.partial(
        pl.kernel,
        out_type=jax.ShapeDtypeStruct((N,), jnp.float32),
        mesh=mesh,
        scratch_types=[
            pltpu.VMEM((bpw,), jnp.int32),
            pltpu.VMEM((2, _CHROWS, C), jnp.float32),
            pltpu.VMEM((bpw,), jnp.float32),
            pltpu.SemaphoreType.DMA((2,)),
        ],
        compiler_params=pltpu.CompilerParams(use_tc_tiling_on_sc=True,
                                             needs_layout_passes=False),
    )
    def sc_extract(t_hbm, sim_hbm, simt_out, t_v, chunk_v, res_v, sems):
        wid = lax.axis_index("s") * NC + lax.axis_index("c")
        base = wid * bpw
        pltpu.sync_copy(t_hbm.at[pl.ds(base, bpw)], t_v)

        def cp(c):
            return pltpu.make_async_copy(
                sim_hbm.at[pl.ds(base + c * _CHROWS, _CHROWS), :],
                chunk_v.at[c % 2], sems.at[c % 2])

        cp(0).start()
        for c in range(nch):
            if c + 1 < nch:
                cp(c + 1).start()
            cp(c).wait()
            for j in range(_CHROWS // _LANES):
                r16 = lax.iota(jnp.int32, _LANES) + j * _LANES
                t16 = t_v[pl.ds(c * _CHROWS + j * _LANES, _LANES)]
                vals = plsc.load_gather(chunk_v.at[c % 2], [r16, t16])
                res_v[pl.ds((c * (_CHROWS // _LANES) + j) * _LANES,
                            _LANES)] = vals
        pltpu.sync_copy(res_v, simt_out.at[pl.ds(base, bpw)])

    return sc_extract


def _tc_loss_fn(N, C, R):
    def body(x_ref, t_ref, simt_ref, out_ref):
        i = pl.program_id(0)

        @pl.when(i == 0)
        def _init():
            out_ref[0, 0] = 0.0

        x = x_ref[...].reshape(R, _G, C)
        cols = lax.broadcasted_iota(jnp.int32, (R, _G, C), 2)
        oh = cols == t_ref[...][:, :, None]
        m = jnp.max(x, axis=2)
        s = jnp.sum(jnp.exp(x - m[:, :, None]), axis=2)
        lse = m + jnp.log(s)
        logit_t = jnp.sum(jnp.where(oh, x, 0.0), axis=2)
        w = 10.0 / (1.0 + jnp.exp(4.0 * simt_ref[...].reshape(R, _G)))
        out_ref[0, 0] += jnp.sum(w * (lse - logit_t))

    return pl.pallas_call(
        body,
        grid=(N // (R * _G),),
        in_specs=[
            pl.BlockSpec((R * _G, C), lambda i: (i, 0)),
            pl.BlockSpec((R, _G), lambda i: (i, 0)),
            pl.BlockSpec((R * _G,), lambda i: (i,)),
        ],
        out_specs=pl.BlockSpec(memory_space=pltpu.MemorySpace.SMEM),
        out_shape=jax.ShapeDtypeStruct((1, 1), jnp.float32),
        compiler_params=pltpu.CompilerParams(
            dimension_semantics=("arbitrary",)),
    )


def kernel(src_logits, hoi_text_similarity, target_classes_i):
    N, C = src_logits.shape
    t = target_classes_i.astype(jnp.int32)

    info = plsc.get_sparse_core_info()
    simt = _sc_extract_fn(N, C, info.num_cores, info.num_subcores)(
        t, hoi_text_similarity)

    R = 16
    out = _tc_loss_fn(N, C, R)(src_logits, t.reshape(N // _G, _G), simt)
    return out[0, 0] / N

# --- scband reference (transcript-rebuilt; emitter-appended) ---
"""Pipeline reference for scband-set-criterion-55439437856794 (READ-ONLY COPY).

The authoritative reference and input builder live on the scoring server;
editing this copy changes nothing except your own understanding.
"""

import jax, jax.numpy as jnp
import numpy as np


def setup_inputs(seed: int = 0) -> dict:
    key = jax.random.key(seed)
    k1, k2, k3 = jax.random.split(key, 3)
    N, C = 16384, 600
    src_logits = jax.random.normal(k1, (N, C), dtype=jnp.float32)
    hoi_text_similarity = jax.random.uniform(k2, (N, C), dtype=jnp.float32)
    target_classes_i = jax.random.randint(k3, (N,), 0, C)
    return {
        "src_logits": src_logits,
        "hoi_text_similarity": hoi_text_similarity,
        "target_classes_i": target_classes_i,
    }


def reference(src_logits, hoi_text_similarity, target_classes_i):
    # SetCriterion.loss_labels (eval path): weighted classification loss loss_ce = loss_i
    N = src_logits.shape[0]
    rows = jnp.arange(N)
    # _get_visual_weights: weights are computed on a detached copy of the similarity
    sim = jax.lax.stop_gradient(hoi_text_similarity)
    f = 10.0 / (1.0 + jnp.exp(4.0 * sim))  # _f(x) = 10 / (1 + exp(4x))
    # label_map: one-hot bool at (row, target class)
    label_map = jnp.zeros(sim.shape, dtype=bool).at[rows, target_classes_i].set(True)
    weights = jnp.where(label_map, f, jnp.float32(1.0))
    # CustomWeightedCrossEntropyLoss: per-sample F.cross_entropy(i, t, weight=w, reduction='sum'),
    # i.e. -weights[n, t_n] * log_softmax(logits[n])[t_n]; then mean over samples.
    logp = jax.nn.log_softmax(src_logits, axis=-1)
    logp_t = logp[rows, target_classes_i]
    w_t = weights[rows, target_classes_i]
    loss_list = -(w_t * logp_t)
    loss_ce = jnp.sum(loss_list) / N
    return loss_ce

if __name__ == "__main__":
    import jax
    _d = setup_inputs()
    print(jax.jit(kernel)(*tuple(_d.values())))

</pallas_src>

<mosaic_0001>
#map = affine_map<(d0, d1) -> (0)>
#map1 = affine_map<(d0, d1) -> (0, 0)>
module attributes {stable_mosaic.version = 14 : i64} {
  func.func @sc_extract(%arg0: i32, %arg1: i32, %arg2: memref<16384xi32, #tpu.memory_space<hbm>>, %arg3: memref<16384x600xf32, #tpu.memory_space<hbm>>, %arg4: memref<16384xf32, #tpu.memory_space<hbm>>, %arg5: memref<512xi32, #tpu.memory_space<vmem>>, %arg6: memref<2x64x600xf32, #tpu.memory_space<vmem>>, %arg7: memref<512xf32, #tpu.memory_space<vmem>>, %arg8: memref<2x!tpu.dma_semaphore, #tpu.memory_space<semaphore_mem>>) attributes {dimension_semantics = [#tpu.dimension_semantics<core_parallel>, #tpu.dimension_semantics<subcore_parallel>], iteration_bounds = array<i64: 2, 16>, scalar_prefetch = 0 : i64, scratch_operands = 4 : i64, tpu.core_type = #tpu.core_type<sc_vector_subcore>, window_params = [{transform_indices = #map}, {transform_indices = #map1}, {transform_indices = #map}]} {
    %mul3A = arith.constant 2 : i32
    %mul3A_0 = arith.muli %arg1, %mul3A : i32
    %add3A = arith.addi %mul3A_0, %arg0 : i32
    %mul3A_1 = arith.constant 512 : i32
    %mul3A_2 = arith.muli %add3A, %mul3A_1 : i32
    "tpu.region"() ({
      %run_scoped3A = tpu.sem_alloc : memref<!tpu.dma_semaphore, #tpu.memory_space<semaphore_mem>>
      %dma_start3A_733 = tpu.memref_slice %arg2[%mul3A_2] : memref<16384xi32, #tpu.memory_space<hbm>> -> memref<512xi32, #tpu.memory_space<hbm>>
      %dma_start3A_734 = tpu.memref_slice %arg2[%mul3A_2] : memref<16384xi32, #tpu.memory_space<hbm>> -> memref<512xi32, #tpu.memory_space<hbm>>
      tpu.enqueue_dma source(%dma_start3A_734 : memref<512xi32, #tpu.memory_space<hbm>>) target(%arg5 : memref<512xi32, #tpu.memory_space<vmem>>) target_semaphore(%run_scoped3A : memref<!tpu.dma_semaphore, #tpu.memory_space<semaphore_mem>>)
      %dma_wait3A_735 = tpu.memref_slice %arg2[%mul3A_2] : memref<16384xi32, #tpu.memory_space<hbm>> -> memref<512xi32, #tpu.memory_space<hbm>>
      %dma_wait3A_736 = tpu.memref_slice %arg2[%mul3A_2] : memref<16384xi32, #tpu.memory_space<hbm>> -> memref<512xi32, #tpu.memory_space<hbm>>
      tpu.wait_dma2 semaphore(%run_scoped3A : memref<!tpu.dma_semaphore, #tpu.memory_space<semaphore_mem>>) src(%dma_wait3A_736 : memref<512xi32, #tpu.memory_space<hbm>>) dst(%arg5 : memref<512xi32, #tpu.memory_space<vmem>>)
      tpu.yield
    }) : () -> ()
    %add3A_3 = arith.constant 0 : i32
    %add3A_4 = arith.addi %mul3A_2, %add3A_3 : i32
    %dma_start3A = arith.constant 0 : i32
    %dma_start3A_5 = arith.constant 0 : i32
    %dma_start3A_6 = arith.constant 0 : i32
    %dma_start3A_7 = arith.constant 0 : i32
    %dma_start3A_8 = tpu.memref_slice %arg6[%dma_start3A, %dma_start3A_6, %dma_start3A_7] : memref<2x64x600xf32, #tpu.memory_space<vmem>> -> memref<1x64x600xf32, #tpu.memory_space<vmem>>
    %dma_start3A_9 = tpu.memref_squeeze %dma_start3A_8 : memref<1x64x600xf32, #tpu.memory_space<vmem>> -> memref<64x600xf32, #tpu.memory_space<vmem>>
    %dma_start3A_10 = arith.constant 0 : i32
    %dma_start3A_11 = tpu.memref_slice %arg3[%add3A_4, %dma_start3A_10] : memref<16384x600xf32, #tpu.memory_space<hbm>> -> memref<64x600xf32, #tpu.memory_space<hbm>>
    %dma_start3A_12 = tpu.memref_slice %arg8[%dma_start3A_5] : memref<2x!tpu.dma_semaphore, #tpu.memory_space<semaphore_mem>> -> memref<1x!tpu.dma_semaphore, #tpu.memory_space<semaphore_mem>>
    %dma_start3A_13 = tpu.memref_squeeze %dma_start3A_12 : memref<1x!tpu.dma_semaphore, #tpu.memory_space<semaphore_mem>> -> memref<!tpu.dma_semaphore, #tpu.memory_space<semaphore_mem>>
    %dma_start3A_14 = arith.constant 0 : i32
    %dma_start3A_15 = arith.constant 0 : i32
    %dma_start3A_16 = tpu.memref_slice %arg6[%dma_start3A, %dma_start3A_14, %dma_start3A_15] : memref<2x64x600xf32, #tpu.memory_space<vmem>> -> memref<1x64x600xf32, #tpu.memory_space<vmem>>
    %dma_start3A_17 = tpu.memref_squeeze %dma_start3A_16 : memref<1x64x600xf32, #tpu.memory_space<vmem>> -> memref<64x600xf32, #tpu.memory_space<vmem>>
    %dma_start3A_18 = arith.constant 0 : i32
    %dma_start3A_19 = tpu.memref_slice %arg3[%add3A_4, %dma_start3A_18] : memref<16384x600xf32, #tpu.memory_space<hbm>> -> memref<64x600xf32, #tpu.memory_space<hbm>>
    tpu.enqueue_dma source(%dma_start3A_19 : memref<64x600xf32, #tpu.memory_space<hbm>>) target(%dma_start3A_17 : memref<64x600xf32, #tpu.memory_space<vmem>>) target_semaphore(%dma_start3A_13 : memref<!tpu.dma_semaphore, #tpu.memory_space<semaphore_mem>>)
    %add3A_20 = arith.constant 64 : i32
    %add3A_21 = arith.addi %mul3A_2, %add3A_20 : i32
    %dma_start3A_22 = arith.constant 1 : i32
    %dma_start3A_23 = arith.constant 1 : i32
    %dma_start3A_24 = arith.constant 0 : i32
    %dma_start3A_25 = arith.constant 0 : i32
    %dma_start3A_26 = tpu.memref_slice %arg6[%dma_start3A_22, %dma_start3A_24, %dma_start3A_25] : memref<2x64x600xf32, #tpu.memory_space<vmem>> -> memref<1x64x600xf32, #tpu.memory_space<vmem>>
    %dma_start3A_27 = tpu.memref_squeeze %dma_start3A_26 : memref<1x64x600xf32, #tpu.memory_space<vmem>> -> memref<64x600xf32, #tpu.memory_space<vmem>>
    %dma_start3A_28 = arith.constant 0 : i32
    %dma_start3A_29 = tpu.memref_slice %arg3[%add3A_21, %dma_start3A_28] : memref<16384x600xf32, #tpu.memory_space<hbm>> -> memref<64x600xf32, #tpu.memory_space<hbm>>
    %dma_start3A_30 = tpu.memref_slice %arg8[%dma_start3A_23] : memref<2x!tpu.dma_semaphore, #tpu.memory_space<semaphore_mem>> -> memref<1x!tpu.dma_semaphore, #tpu.memory_space<semaphore_mem>>
    %dma_start3A_31 = tpu.memref_squeeze %dma_start3A_30 : memref<1x!tpu.dma_semaphore, #tpu.memory_space<semaphore_mem>> -> memref<!tpu.dma_semaphore, #tpu.memory_space<semaphore_mem>>
    %dma_start3A_32 = arith.constant 0 : i32
    %dma_start3A_33 = arith.constant 0 : i32
    %dma_start3A_34 = tpu.memref_slice %arg6[%dma_start3A_22, %dma_start3A_32, %dma_start3A_33] : memref<2x64x600xf32, #tpu.memory_space<vmem>> -> memref<1x64x600xf32, #tpu.memory_space<vmem>>
    %dma_start3A_35 = tpu.memref_squeeze %dma_start3A_34 : memref<1x64x600xf32, #tpu.memory_space<vmem>> -> memref<64x600xf32, #tpu.memory_space<vmem>>
    %dma_start3A_36 = arith.constant 0 : i32
    %dma_start3A_37 = tpu.memref_slice %arg3[%add3A_21, %dma_start3A_36] : memref<16384x600xf32, #tpu.memory_space<hbm>> -> memref<64x600xf32, #tpu.memory_space<hbm>>
    tpu.enqueue_dma source(%dma_start3A_37 : memref<64x600xf32, #tpu.memory_space<hbm>>) target(%dma_start3A_35 : memref<64x600xf32, #tpu.memory_space<vmem>>) target_semaphore(%dma_start3A_31 : memref<!tpu.dma_semaphore, #tpu.memory_space<semaphore_mem>>)
    %add3A_38 = arith.constant 0 : i32
    %add3A_39 = arith.addi %mul3A_2, %add3A_38 : i32
    %dma_wait3A = arith.constant 0 : i32
    %dma_wait3A_40 = arith.constant 0 : i32
    %dma_wait3A_41 = arith.constant 0 : i32
    %dma_wait3A_42 = arith.constant 0 : i32
    %dma_wait3A_43 = tpu.memref_slice %arg6[%dma_wait3A, %dma_wait3A_41, %dma_wait3A_42] : memref<2x64x600xf32, #tpu.memory_space<vmem>> -> memref<1x64x600xf32, #tpu.memory_space<vmem>>
    %dma_wait3A_44 = tpu.memref_squeeze %dma_wait3A_43 : memref<1x64x600xf32, #tpu.memory_space<vmem>> -> memref<64x600xf32, #tpu.memory_space<vmem>>
    %dma_wait3A_45 = arith.constant 0 : i32
    %dma_wait3A_46 = tpu.memref_slice %arg3[%add3A_39, %dma_wait3A_45] : memref<16384x600xf32, #tpu.memory_space<hbm>> -> memref<64x600xf32, #tpu.memory_space<hbm>>
    %dma_wait3A_47 = tpu.memref_slice %arg8[%dma_wait3A_40] : memref<2x!tpu.dma_semaphore, #tpu.memory_space<semaphore_mem>> -> memref<1x!tpu.dma_semaphore, #tpu.memory_space<semaphore_mem>>
    %dma_wait3A_48 = tpu.memref_squeeze %dma_wait3A_47 : memref<1x!tpu.dma_semaphore, #tpu.memory_space<semaphore_mem>> -> memref<!tpu.dma_semaphore, #tpu.memory_space<semaphore_mem>>
    %dma_wait3A_49 = arith.constant 0 : i32
    %dma_wait3A_50 = arith.constant 0 : i32
    %dma_wait3A_51 = tpu.memref_slice %arg6[%dma_wait3A, %dma_wait3A_49, %dma_wait3A_50] : memref<2x64x600xf32, #tpu.memory_space<vmem>> -> memref<1x64x600xf32, #tpu.memory_space<vmem>>
    %dma_wait3A_52 = tpu.memref_squeeze %dma_wait3A_51 : memref<1x64x600xf32, #tpu.memory_space<vmem>> -> memref<64x600xf32, #tpu.memory_space<vmem>>
    %dma_wait3A_53 = arith.constant 0 : i32
    %dma_wait3A_54 = tpu.memref_slice %arg3[%add3A_39, %dma_wait3A_53] : memref<16384x600xf32, #tpu.memory_space<hbm>> -> memref<64x600xf32, #tpu.memory_space<hbm>>
    tpu.wait_dma2 semaphore(%dma_wait3A_48 : memref<!tpu.dma_semaphore, #tpu.memory_space<semaphore_mem>>) src(%dma_wait3A_54 : memref<64x600xf32, #tpu.memory_space<hbm>>) dst(%dma_wait3A_52 : memref<64x600xf32, #tpu.memory_space<vmem>>)
    %iota3A = tpu.iota {dimensions = array<i32: 0>} : vector<16xi32>
    %add3A_55 = arith.constant 0 : i32
    %add3A_56 = vector.broadcast %add3A_55 : i32 to vector<16xi32>
    %add3A_57 = arith.addi %iota3A, %add3A_56 : vector<16xi32>
    %get3A = arith.constant 0 : index
    %get3A_58 = tpu.vector_load %arg5[%get3A] {strides = array<i32>} : memref<512xi32, #tpu.memory_space<vmem>>, vector<16xi32>,
    %gather3A = arith.constant 0 : i32
    %gather3A_59 = arith.constant 0 : i32
    %gather3A_60 = arith.constant 0 : i32
    %gather3A_61 = tpu.memref_slice %arg6[%gather3A, %gather3A_59, %gather3A_60] : memref<2x64x600xf32, #tpu.memory_space<vmem>> -> memref<1x64x600xf32, #tpu.memory_space<vmem>>
    %gather3A_62 = tpu.memref_squeeze %gather3A_61 : memref<1x64x600xf32, #tpu.memory_space<vmem>> -> memref<64x600xf32, #tpu.memory_space<vmem>>
    %gather3A_63 = tpu.vector_load_idx %gather3A_62[%add3A_57, %get3A_58] : memref<64x600xf32, #tpu.memory_space<vmem>>[vector<16xi32>, vector<16xi32>], vector<16xf32>,
    %swap3A = arith.constant 0 : index
    %swap3A_64 = tpu.vector_load %arg7[%swap3A] {strides = array<i32>} : memref<512xf32, #tpu.memory_space<vmem>>, vector<16xf32>,
    tpu.vector_store %arg7[%swap3A], %gather3A_63 {strides = array<i32>} : memref<512xf32, #tpu.memory_space<vmem>>, vector<16xf32>,
    %iota3A_65 = tpu.iota {dimensions = array<i32: 0>} : vector<16xi32>
    %add3A_66 = arith.constant 16 : i32
    %add3A_67 = vector.broadcast %add3A_66 : i32 to vector<16xi32>
    %add3A_68 = arith.addi %iota3A_65, %add3A_67 : vector<16xi32>
    %get3A_69 = arith.constant 16 : index
    %get3A_70 = tpu.vector_load %arg5[%get3A_69] {strides = array<i32>} : memref<512xi32, #tpu.memory_space<vmem>>, vector<16xi32>,
    %gather3A_71 = arith.constant 0 : i32
    %gather3A_72 = arith.constant 0 : i32
    %gather3A_73 = arith.constant 0 : i32
    %gather3A_74 = tpu.memref_slice %arg6[%gather3A_71, %gather3A_72, %gather3A_73] : memref<2x64x600xf32, #tpu.memory_space<vmem>> -> memref<1x64x600xf32, #tpu.memory_space<vmem>>
    %gather3A_75 = tpu.memref_squeeze %gather3A_74 : memref<1x64x600xf32, #tpu.memory_space<vmem>> -> memref<64x600xf32, #tpu.memory_space<vmem>>
    %gather3A_76 = tpu.vector_load_idx %gather3A_75[%add3A_68, %get3A_70] : memref<64x600xf32, #tpu.memory_space<vmem>>[vector<16xi32>, vector<16xi32>], vector<16xf32>,
    %swap3A_77 = arith.constant 16 : index
    %swap3A_78 = tpu.vector_load %arg7[%swap3A_77] {strides = array<i32>} : memref<512xf32, #tpu.memory_space<vmem>>, vector<16xf32>,
    tpu.vector_store %arg7[%swap3A_77], %gather3A_76 {strides = array<i32>} : memref<512xf32, #tpu.memory_space<vmem>>, vector<16xf32>,
    %iota3A_79 = tpu.iota {dimensions = array<i32: 0>} : vector<16xi32>
    %add3A_80 = arith.constant 32 : i32
    %add3A_81 = vector.broadcast %add3A_80 : i32 to vector<16xi32>
    %add3A_82 = arith.addi %iota3A_79, %add3A_81 : vector<16xi32>
    %get3A_83 = arith.constant 32 : index
    %get3A_84 = tpu.vector_load %arg5[%get3A_83] {strides = array<i32>} : memref<512xi32, #tpu.memory_space<vmem>>, vector<16xi32>,
    %gather3A_85 = arith.constant 0 : i32
    %gather3A_86 = arith.constant 0 : i32
    %gather3A_87 = arith.constant 0 : i32
    %gather3A_88 = tpu.memref_slice %arg6[%gather3A_85, %gather3A_86, %gather3A_87] : memref<2x64x600xf32, #tpu.memory_space<vmem>> -> memref<1x64x600xf32, #tpu.memory_space<vmem>>
    %gather3A_89 = tpu.memref_squeeze %gather3A_88 : memref<1x64x600xf32, #tpu.memory_space<vmem>> -> memref<64x600xf32, #tpu.memory_space<vmem>>
    %gather3A_90 = tpu.vector_load_idx %gather3A_89[%add3A_82, %get3A_84] : memref<64x600xf32, #tpu.memory_space<vmem>>[vector<16xi32>, vector<16xi32>], vector<16xf32>,
    %swap3A_91 = arith.constant 32 : index
    %swap3A_92 = tpu.vector_load %arg7[%swap3A_91] {strides = array<i32>} : memref<512xf32, #tpu.memory_space<vmem>>, vector<16xf32>,
    tpu.vector_store %arg7[%swap3A_91], %gather3A_90 {strides = array<i32>} : memref<512xf32, #tpu.memory_space<vmem>>, vector<16xf32>,
    %iota3A_93 = tpu.iota {dimensions = array<i32: 0>} : vector<16xi32>
    %add3A_94 = arith.constant 48 : i32
    %add3A_95 = vector.broadcast %add3A_94 : i32 to vector<16xi32>
    %add3A_96 = arith.addi %iota3A_93, %add3A_95 : vector<16xi32>
    %get3A_97 = arith.constant 48 : index
    %get3A_98 = tpu.vector_load %arg5[%get3A_97] {strides = array<i32>} : memref<512xi32, #tpu.memory_space<vmem>>, vector<16xi32>,
    %gather3A_99 = arith.constant 0 : i32
    %gather3A_100 = arith.constant 0 : i32
    %gather3A_101 = arith.constant 0 : i32
    %gather3A_102 = tpu.memref_slice %arg6[%gather3A_99, %gather3A_100, %gather3A_101] : memref<2x64x600xf32, #tpu.memory_space<vmem>> -> memref<1x64x600xf32, #tpu.memory_space<vmem>>
    %gather3A_103 = tpu.memref_squeeze %gather3A_102 : memref<1x64x600xf32, #tpu.memory_space<vmem>> -> memref<64x600xf32, #tpu.memory_space<vmem>>
    %gather3A_104 = tpu.vector_load_idx %gather3A_103[%add3A_96, %get3A_98] : memref<64x600xf32, #tpu.memory_space<vmem>>[vector<16xi32>, vector<16xi32>], vector<16xf32>,
    %swap3A_105 = arith.constant 48 : index
    %swap3A_106 = tpu.vector_load %arg7[%swap3A_105] {strides = array<i32>} : memref<512xf32, #tpu.memory_space<vmem>>, vector<16xf32>,
    tpu.vector_store %arg7[%swap3A_105], %gather3A_104 {strides = array<i32>} : memref<512xf32, #tpu.memory_space<vmem>>, vector<16xf32>,
    %add3A_107 = arith.constant 128 : i32
    %add3A_108 = arith.addi %mul3A_2, %add3A_107 : i32
    %dma_start3A_109 = arith.constant 0 : i32
    %dma_start3A_110 = arith.constant 0 : i32
    %dma_start3A_111 = arith.constant 0 : i32
    %dma_start3A_112 = arith.constant 0 : i32
    %dma_start3A_113 = tpu.memref_slice %arg6[%dma_start3A_109, %dma_start3A_111, %dma_start3A_112] : memref<2x64x600xf32, #tpu.memory_space<vmem>> -> memref<1x64x600xf32, #tpu.memory_space<vmem>>
    %dma_start3A_114 = tpu.memref_squeeze %dma_start3A_113 : memref<1x64x600xf32, #tpu.memory_space<vmem>> -> memref<64x600xf32, #tpu.memory_space<vmem>>
    %dma_start3A_115 = arith.constant 0 : i32
    %dma_start3A_116 = tpu.memref_slice %arg3[%add3A_108, %dma_start3A_115] : memref<16384x600xf32, #tpu.memory_space<hbm>> -> memref<64x600xf32, #tpu.memory_space<hbm>>
    %dma_start3A_117 = tpu.memref_slice %arg8[%dma_start3A_110] : memref<2x!tpu.dma_semaphore, #tpu.memory_space<semaphore_mem>> -> memref<1x!tpu.dma_semaphore, #tpu.memory_space<semaphore_mem>>
    %dma_start3A_118 = tpu.memref_squeeze %dma_start3A_117 : memref<1x!tpu.dma_semaphore, #tpu.memory_space<semaphore_mem>> -> memref<!tpu.dma_semaphore, #tpu.memory_space<semaphore_mem>>
    %dma_start3A_119 = arith.constant 0 : i32
    %dma_start3A_120 = arith.constant 0 : i32
    %dma_start3A_121 = tpu.memref_slice %arg6[%dma_start3A_109, %dma_start3A_119, %dma_start3A_120] : memref<2x64x600xf32, #tpu.memory_space<vmem>> -> memref<1x64x600xf32, #tpu.memory_space<vmem>>
    %dma_start3A_122 = tpu.memref_squeeze %dma_start3A_121 : memref<1x64x600xf32, #tpu.memory_space<vmem>> -> memref<64x600xf32, #tpu.memory_space<vmem>>
    %dma_start3A_123 = arith.constant 0 : i32
    %dma_start3A_124 = tpu.memref_slice %arg3[%add3A_108, %dma_start3A_123] : memref<16384x600xf32, #tpu.memory_space<hbm>> -> memref<64x600xf32, #tpu.memory_space<hbm>>
    tpu.enqueue_dma source(%dma_start3A_124 : memref<64x600xf32, #tpu.memory_space<hbm>>) target(%dma_start3A_122 : memref<64x600xf32, #tpu.memory_space<vmem>>) target_semaphore(%dma_start3A_118 : memref<!tpu.dma_semaphore, #tpu.memory_space<semaphore_mem>>)
    %add3A_125 = arith.constant 64 : i32
    %add3A_126 = arith.addi %mul3A_2, %add3A_125 : i32
    %dma_wait3A_127 = arith.constant 1 : i32
    %dma_wait3A_128 = arith.constant 1 : i32
    %dma_wait3A_129 = arith.constant 0 : i32
    %dma_wait3A_130 = arith.constant 0 : i32
    %dma_wait3A_131 = tpu.memref_slice %arg6[%dma_wait3A_127, %dma_wait3A_129, %dma_wait3A_130] : memref<2x64x600xf32, #tpu.memory_space<vmem>> -> memref<1x64x600xf32, #tpu.memory_space<vmem>>
    %dma_wait3A_132 = tpu.memref_squeeze %dma_wait3A_131 : memref<1x64x600xf32, #tpu.memory_space<vmem>> -> memref<64x600xf32, #tpu.memory_space<vmem>>
    %dma_wait3A_133 = arith.constant 0 : i32
    %dma_wait3A_134 = tpu.memref_slice %arg3[%add3A_126, %dma_wait3A_133] : memref<16384x600xf32, #tpu.memory_space<hbm>> -> memref<64x600xf32, #tpu.memory_space<hbm>>
    %dma_wait3A_135 = tpu.memref_slice %arg8[%dma_wait3A_128] : memref<2x!tpu.dma_semaphore, #tpu.memory_space<semaphore_mem>> -> memref<1x!tpu.dma_semaphore, #tpu.memory_space<semaphore_mem>>
    %dma_wait3A_136 = tpu.memref_squeeze %dma_wait3A_135 : memref<1x!tpu.dma_semaphore, #tpu.memory_space<semaphore_mem>> -> memref<!tpu.dma_semaphore, #tpu.memory_space<semaphore_mem>>
    %dma_wait3A_137 = arith.constant 0 : i32
    %dma_wait3A_138 = arith.constant 0 : i32
    %dma_wait3A_139 = tpu.memref_slice %arg6[%dma_wait3A_127, %dma_wait3A_137, %dma_wait3A_138] : memref<2x64x600xf32, #tpu.memory_space<vmem>> -> memref<1x64x600xf32, #tpu.memory_space<vmem>>
    %dma_wait3A_140 = tpu.memref_squeeze %dma_wait3A_139 : memref<1x64x600xf32, #tpu.memory_space<vmem>> -> memref<64x600xf32, #tpu.memory_space<vmem>>
    %dma_wait3A_141 = arith.constant 0 : i32
    %dma_wait3A_142 = tpu.memref_slice %arg3[%add3A_126, %dma_wait3A_141] : memref<16384x600xf32, #tpu.memory_space<hbm>> -> memref<64x600xf32, #tpu.memory_space<hbm>>
    tpu.wait_dma2 semaphore(%dma_wait3A_136 : memref<!tpu.dma_semaphore, #tpu.memory_space<semaphore_mem>>) src(%dma_wait3A_142 : memref<64x600xf32, #tpu.memory_space<hbm>>) dst(%dma_wait3A_140 : memref<64x600xf32, #tpu.memory_space<vmem>>)
    %iota3A_143 = tpu.iota {dimensions = array<i32: 0>} : vector<16xi32>
    %add3A_144 = arith.constant 0 : i32
    %add3A_145 = vector.broadcast %add3A_144 : i32 to vector<16xi32>
    %add3A_146 = arith.addi %iota3A_143, %add3A_145 : vector<16xi32>
    %get3A_147 = arith.constant 64 : index
    %get3A_148 = tpu.vector_load %arg5[%get3A_147] {strides = array<i32>} : memref<512xi32, #tpu.memory_space<vmem>>, vector<16xi32>,
    %gather3A_149 = arith.constant 1 : i32
    %gather3A_150 = arith.constant 0 : i32
    %gather3A_151 = arith.constant 0 : i32
    %gather3A_152 = tpu.memref_slice %arg6[%gather3A_149, %gather3A_150, %gather3A_151] : memref<2x64x600xf32, #tpu.memory_space<vmem>> -> memref<1x64x600xf32, #tpu.memory_space<vmem>>
    %gather3A_153 = tpu.memref_squeeze %gather3A_152 : memref<1x64x600xf32, #tpu.memory_space<vmem>> -> memref<64x600xf32, #tpu.memory_space<vmem>>
    %gather3A_154 = tpu.vector_load_idx %gather3A_153[%add3A_146, %get3A_148] : memref<64x600xf32, #tpu.memory_space<vmem>>[vector<16xi32>, vector<16xi32>], vector<16xf32>,
    %swap3A_155 = arith.constant 64 : index
    %swap3A_156 = tpu.vector_load %arg7[%swap3A_155] {strides = array<i32>} : memref<512xf32, #tpu.memory_space<vmem>>, vector<16xf32>,
    tpu.vector_store %arg7[%swap3A_155], %gather3A_154 {strides = array<i32>} : memref<512xf32, #tpu.memory_space<vmem>>, vector<16xf32>,
    %iota3A_157 = tpu.iota {dimensions = array<i32: 0>} : vector<16xi32>
    %add3A_158 = arith.constant 16 : i32
    %add3A_159 = vector.broadcast %add3A_158 : i32 to vector<16xi32>
    %add3A_160 = arith.addi %iota3A_157, %add3A_159 : vector<16xi32>
    %get3A_161 = arith.constant 80 : index
    %get3A_162 = tpu.vector_load %arg5[%get3A_161] {strides = array<i32>} : memref<512xi32, #tpu.memory_space<vmem>>, vector<16xi32>,
    %gather3A_163 = arith.constant 1 : i32
    %gather3A_164 = arith.constant 0 : i32
    %gather3A_165 = arith.constant 0 : i32
    %gather3A_166 = tpu.memref_slice %arg6[%gather3A_163, %gather3A_164, %gather3A_165] : memref<2x64x600xf32, #tpu.memory_space<vmem>> -> memref<1x64x600xf32, #tpu.memory_space<vmem>>
    %gather3A_167 = tpu.memref_squeeze %gather3A_166 : memref<1x64x600xf32, #tpu.memory_space<vmem>> -> memref<64x600xf32, #tpu.memory_space<vmem>>
    %gather3A_168 = tpu.vector_load_idx %gather3A_167[%add3A_160, %get3A_162] : memref<64x600xf32, #tpu.memory_space<vmem>>[vector<16xi32>, vector<16xi32>], vector<16xf32>,
    %swap3A_169 = arith.constant 80 : index
    %swap3A_170 = tpu.vector_load %arg7[%swap3A_169] {strides = array<i32>} : memref<512xf32, #tpu.memory_space<vmem>>, vector<16xf32>,
    tpu.vector_store %arg7[%swap3A_169], %gather3A_168 {strides = array<i32>} : memref<512xf32, #tpu.memory_space<vmem>>, vector<16xf32>,
    %iota3A_171 = tpu.iota {dimensions = array<i32: 0>} : vector<16xi32>
    %add3A_172 = arith.constant 32 : i32
    %add3A_173 = vector.broadcast %add3A_172 : i32 to vector<16xi32>
    %add3A_174 = arith.addi %iota3A_171, %add3A_173 : vector<16xi32>
    %get3A_175 = arith.constant 96 : index
    %get3A_176 = tpu.vector_load %arg5[%get3A_175] {strides = array<i32>} : memref<512xi32, #tpu.memory_space<vmem>>, vector<16xi32>,
    %gather3A_177 = arith.constant 1 : i32
    %gather3A_178 = arith.constant 0 : i32
    %gather3A_179 = arith.constant 0 : i32
    %gather3A_180 = tpu.memref_slice %arg6[%gather3A_177, %gather3A_178, %gather3A_179] : memref<2x64x600xf32, #tpu.memory_space<vmem>> -> memref<1x64x600xf32, #tpu.memory_space<vmem>>
    %gather3A_181 = tpu.memref_squeeze %gather3A_180 : memref<1x64x600xf32, #tpu.memory_space<vmem>> -> memref<64x600xf32, #tpu.memory_space<vmem>>
    %gather3A_182 = tpu.vector_load_idx %gather3A_181[%add3A_174, %get3A_176] : memref<64x600xf32, #tpu.memory_space<vmem>>[vector<16xi32>, vector<16xi32>], vector<16xf32>,
    %swap3A_183 = arith.constant 96 : index
    %swap3A_184 = tpu.vector_load %arg7[%swap3A_183] {strides = array<i32>} : memref<512xf32, #tpu.memory_space<vmem>>, vector<16xf32>,
    tpu.vector_store %arg7[%swap3A_183], %gather3A_182 {strides = array<i32>} : memref<512xf32, #tpu.memory_space<vmem>>, vector<16xf32>,
    %iota3A_185 = tpu.iota {dimensions = array<i32: 0>} : vector<16xi32>
    %add3A_186 = arith.constant 48 : i32
    %add3A_187 = vector.broadcast %add3A_186 : i32 to vector<16xi32>
    %add3A_188 = arith.addi %iota3A_185, %add3A_187 : vector<16xi32>
    %get3A_189 = arith.constant 112 : index
    %get3A_190 = tpu.vector_load %arg5[%get3A_189] {strides = array<i32>} : memref<512xi32, #tpu.memory_space<vmem>>, vector<16xi32>,
    %gather3A_191 = arith.constant 1 : i32
    %gather3A_192 = arith.constant 0 : i32
    %gather3A_193 = arith.constant 0 : i32
    %gather3A_194 = tpu.memref_slice %arg6[%gather3A_191, %gather3A_192, %gather3A_193] : memref<2x64x600xf32, #tpu.memory_space<vmem>> -> memref<1x64x600xf32, #tpu.memory_space<vmem>>
    %gather3A_195 = tpu.memref_squeeze %gather3A_194 : memref<1x64x600xf32, #tpu.memory_space<vmem>> -> memref<64x600xf32, #tpu.memory_space<vmem>>
    %gather3A_196 = tpu.vector_load_idx %gather3A_195[%add3A_188, %get3A_190] : memref<64x600xf32, #tpu.memory_space<vmem>>[vector<16xi32>, vector<16xi32>], vector<16xf32>,
    %swap3A_197 = arith.constant 112 : index
    %swap3A_198 = tpu.vector_load %arg7[%swap3A_197] {strides = array<i32>} : memref<512xf32, #tpu.memory_space<vmem>>, vector<16xf32>,
    tpu.vector_store %arg7[%swap3A_197], %gather3A_196 {strides = array<i32>} : memref<512xf32, #tpu.memory_space<vmem>>, vector<16xf32>,
    %add3A_199 = arith.constant 192 : i32
    %add3A_200 = arith.addi %mul3A_2, %add3A_199 : i32
    %dma_start3A_201 = arith.constant 1 : i32
    %dma_start3A_202 = arith.constant 1 : i32
    %dma_start3A_203 = arith.constant 0 : i32
    %dma_start3A_204 = arith.constant 0 : i32
    %dma_start3A_205 = tpu.memref_slice %arg6[%dma_start3A_201, %dma_start3A_203, %dma_start3A_204] : memref<2x64x600xf32, #tpu.memory_space<vmem>> -> memref<1x64x600xf32, #tpu.memory_space<vmem>>
    %dma_start3A_206 = tpu.memref_squeeze %dma_start3A_205 : memref<1x64x600xf32, #tpu.memory_space<vmem>> -> memref<64x600xf32, #tpu.memory_space<vmem>>
    %dma_start3A_207 = arith.constant 0 : i32
    %dma_start3A_208 = tpu.memref_slice %arg3[%add3A_200, %dma_start3A_207] : memref<16384x600xf32, #tpu.memory_space<hbm>> -> memref<64x600xf32, #tpu.memory_space<hbm>>
    %dma_start3A_209 = tpu.memref_slice %arg8[%dma_start3A_202] : memref<2x!tpu.dma_semaphore, #tpu.memory_space<semaphore_mem>> -> memref<1x!tpu.dma_semaphore, #tpu.memory_space<semaphore_mem>>
    %dma_start3A_210 = tpu.memref_squeeze %dma_start3A_209 : memref<1x!tpu.dma_semaphore, #tpu.memory_space<semaphore_mem>> -> memref<!tpu.dma_semaphore, #tpu.memory_space<semaphore_mem>>
    %dma_start3A_211 = arith.constant 0 : i32
    %dma_start3A_212 = arith.constant 0 : i32
    %dma_start3A_213 = tpu.memref_slice %arg6[%dma_start3A_201, %dma_start3A_211, %dma_start3A_212] : memref<2x64x600xf32, #tpu.memory_space<vmem>> -> memref<1x64x600xf32, #tpu.memory_space<vmem>>
    %dma_start3A_214 = tpu.memref_squeeze %dma_start3A_213 : memref<1x64x600xf32, #tpu.memory_space<vmem>> -> memref<64x600xf32, #tpu.memory_space<vmem>>
    %dma_start3A_215 = arith.constant 0 : i32
    %dma_start3A_216 = tpu.memref_slice %arg3[%add3A_200, %dma_start3A_215] : memref<16384x600xf32, #tpu.memory_space<hbm>> -> memref<64x600xf32, #tpu.memory_space<hbm>>
    tpu.enqueue_dma source(%dma_start3A_216 : memref<64x600xf32, #tpu.memory_space<hbm>>) target(%dma_start3A_214 : memref<64x600xf32, #tpu.memory_space<vmem>>) target_semaphore(%dma_start3A_210 : memref<!tpu.dma_semaphore, #tpu.memory_space<semaphore_mem>>)
    %add3A_217 = arith.constant 128 : i32
    %add3A_218 = arith.addi %mul3A_2, %add3A_217 : i32
    %dma_wait3A_219 = arith.constant 0 : i32
    %dma_wait3A_220 = arith.constant 0 : i32
    %dma_wait3A_221 = arith.constant 0 : i32
    %dma_wait3A_222 = arith.constant 0 : i32
    %dma_wait3A_223 = tpu.memref_slice %arg6[%dma_wait3A_219, %dma_wait3A_221, %dma_wait3A_222] : memref<2x64x600xf32, #tpu.memory_space<vmem>> -> memref<1x64x600xf32, #tpu.memory_space<vmem>>
    %dma_wait3A_224 = tpu.memref_squeeze %dma_wait3A_223 : memref<1x64x600xf32, #tpu.memory_space<vmem>> -> memref<64x600xf32, #tpu.memory_space<vmem>>
    %dma_wait3A_225 = arith.constant 0 : i32
    %dma_wait3A_226 = tpu.memref_slice %arg3[%add3A_218, %dma_wait3A_225] : memref<16384x600xf32, #tpu.memory_space<hbm>> -> memref<64x600xf32, #tpu.memory_space<hbm>>
    %dma_wait3A_227 = tpu.memref_slice %arg8[%dma_wait3A_220] : memref<2x!tpu.dma_semaphore, #tpu.memory_space<semaphore_mem>> -> memref<1x!tpu.dma_semaphore, #tpu.memory_space<semaphore_mem>>
    %dma_wait3A_228 = tpu.memref_squeeze %dma_wait3A_227 : memref<1x!tpu.dma_semaphore, #tpu.memory_space<semaphore_mem>> -> memref<!tpu.dma_semaphore, #tpu.memory_space<semaphore_mem>>
    %dma_wait3A_229 = arith.constant 0 : i32
    %dma_wait3A_230 = arith.constant 0 : i32
    %dma_wait3A_231 = tpu.memref_slice %arg6[%dma_wait3A_219, %dma_wait3A_229, %dma_wait3A_230] : memref<2x64x600xf32, #tpu.memory_space<vmem>> -> memref<1x64x600xf32, #tpu.memory_space<vmem>>
    %dma_wait3A_232 = tpu.memref_squeeze %dma_wait3A_231 : memref<1x64x600xf32, #tpu.memory_space<vmem>> -> memref<64x600xf32, #tpu.memory_space<vmem>>
    %dma_wait3A_233 = arith.constant 0 : i32
    %dma_wait3A_234 = tpu.memref_slice %arg3[%add3A_218, %dma_wait3A_233] : memref<16384x600xf32, #tpu.memory_space<hbm>> -> memref<64x600xf32, #tpu.memory_space<hbm>>
    tpu.wait_dma2 semaphore(%dma_wait3A_228 : memref<!tpu.dma_semaphore, #tpu.memory_space<semaphore_mem>>) src(%dma_wait3A_234 : memref<64x600xf32, #tpu.memory_space<hbm>>) dst(%dma_wait3A_232 : memref<64x600xf32, #tpu.memory_space<vmem>>)
    %iota3A_235 = tpu.iota {dimensions = array<i32: 0>} : vector<16xi32>
    %add3A_236 = arith.constant 0 : i32
    %add3A_237 = vector.broadcast %add3A_236 : i32 to vector<16xi32>
    %add3A_238 = arith.addi %iota3A_235, %add3A_237 : vector<16xi32>
    %get3A_239 = arith.constant 128 : index
    %get3A_240 = tpu.vector_load %arg5[%get3A_239] {strides = array<i32>} : memref<512xi32, #tpu.memory_space<vmem>>, vector<16xi32>,
    %gather3A_241 = arith.constant 0 : i32
    %gather3A_242 = arith.constant 0 : i32
    %gather3A_243 = arith.constant 0 : i32
    %gather3A_244 = tpu.memref_slice %arg6[%gather3A_241, %gather3A_242, %gather3A_243] : memref<2x64x600xf32, #tpu.memory_space<vmem>> -> memref<1x64x600xf32, #tpu.memory_space<vmem>>
    %gather3A_245 = tpu.memref_squeeze %gather3A_244 : memref<1x64x600xf32, #tpu.memory_space<vmem>> -> memref<64x600xf32, #tpu.memory_space<vmem>>
    %gather3A_246 = tpu.vector_load_idx %gather3A_245[%add3A_238, %get3A_240] : memref<64x600xf32, #tpu.memory_space<vmem>>[vector<16xi32>, vector<16xi32>], vector<16xf32>,
    %swap3A_247 = arith.constant 128 : index
    %swap3A_248 = tpu.vector_load %arg7[%swap3A_247] {strides = array<i32>} : memref<512xf32, #tpu.memory_space<vmem>>, vector<16xf32>,
    tpu.vector_store %arg7[%swap3A_247], %gather3A_246 {strides = array<i32>} : memref<512xf32, #tpu.memory_space<vmem>>, vector<16xf32>,
    %iota3A_249 = tpu.iota {dimensions = array<i32: 0>} : vector<16xi32>
    %add3A_250 = arith.constant 16 : i32
    %add3A_251 = vector.broadcast %add3A_250 : i32 to vector<16xi32>
    %add3A_252 = arith.addi %iota3A_249, %add3A_251 : vector<16xi32>
    %get3A_253 = arith.constant 144 : index
    %get3A_254 = tpu.vector_load %arg5[%get3A_253] {strides = array<i32>} : memref<512xi32, #tpu.memory_space<vmem>>, vector<16xi32>,
    %gather3A_255 = arith.constant 0 : i32
    %gather3A_256 = arith.constant 0 : i32
    %gather3A_257 = arith.constant 0 : i32
    %gather3A_258 = tpu.memref_slice %arg6[%gather3A_255, %gather3A_256, %gather3A_257] : memref<2x64x600xf32, #tpu.memory_space<vmem>> -> memref<1x64x600xf32, #tpu.memory_space<vmem>>
    %gather3A_259 = tpu.memref_squeeze %gather3A_258 : memref<1x64x600xf32, #tpu.memory_space<vmem>> -> memref<64x600xf32, #tpu.memory_space<vmem>>
    %gather3A_260 = tpu.vector_load_idx %gather3A_259[%add3A_252, %get3A_254] : memref<64x600xf32, #tpu.memory_space<vmem>>[vector<16xi32>, vector<16xi32>], vector<16xf32>,
    %swap3A_261 = arith.constant 144 : index
    %swap3A_262 = tpu.vector_load %arg7[%swap3A_261] {strides = array<i32>} : memref<512xf32, #tpu.memory_space<vmem>>, vector<16xf32>,
    tpu.vector_store %arg7[%swap3A_261], %gather3A_260 {strides = array<i32>} : memref<512xf32, #tpu.memory_space<vmem>>, vector<16xf32>,
    %iota3A_263 = tpu.iota {dimensions = array<i32: 0>} : vector<16xi32>
    %add3A_264 = arith.constant 32 : i32
    %add3A_265 = vector.broadcast %add3A_264 : i32 to vector<16xi32>
    %add3A_266 = arith.addi %iota3A_263, %add3A_265 : vector<16xi32>
    %get3A_267 = arith.constant 160 : index
    %get3A_268 = tpu.vector_load %arg5[%get3A_267] {strides = array<i32>} : memref<512xi32, #tpu.memory_space<vmem>>, vector<16xi32>,
    %gather3A_269 = arith.constant 0 : i32
    %gather3A_270 = arith.constant 0 : i32
    %gather3A_271 = arith.constant 0 : i32
    %gather3A_272 = tpu.memref_slice %arg6[%gather3A_269, %gather3A_270, %gather3A_271] : memref<2x64x600xf32, #tpu.memory_space<vmem>> -> memref<1x64x600xf32, #tpu.memory_space<vmem>>
    %gather3A_273 = tpu.memref_squeeze %gather3A_272 : memref<1x64x600xf32, #tpu.memory_space<vmem>> -> memref<64x600xf32, #tpu.memory_space<vmem>>
    %gather3A_274 = tpu.vector_load_idx %gather3A_273[%add3A_266, %get3A_268] : memref<64x600xf32, #tpu.memory_space<vmem>>[vector<16xi32>, vector<16xi32>], vector<16xf32>,
    %swap3A_275 = arith.constant 160 : index
    %swap3A_276 = tpu.vector_load %arg7[%swap3A_275] {strides = array<i32>} : memref<512xf32, #tpu.memory_space<vmem>>, vector<16xf32>,
    tpu.vector_store %arg7[%swap3A_275], %gather3A_274 {strides = array<i32>} : memref<512xf32, #tpu.memory_space<vmem>>, vector<16xf32>,
    %iota3A_277 = tpu.iota {dimensions = array<i32: 0>} : vector<16xi32>
    %add3A_278 = arith.constant 48 : i32
    %add3A_279 = vector.broadcast %add3A_278 : i32 to vector<16xi32>
    %add3A_280 = arith.addi %iota3A_277, %add3A_279 : vector<16xi32>
    %get3A_281 = arith.constant 176 : index
    %get3A_282 = tpu.vector_load %arg5[%get3A_281] {strides = array<i32>} : memref<512xi32, #tpu.memory_space<vmem>>, vector<16xi32>,
    %gather3A_283 = arith.constant 0 : i32
    %gather3A_284 = arith.constant 0 : i32
    %gather3A_285 = arith.constant 0 : i32
    %gather3A_286 = tpu.memref_slice %arg6[%gather3A_283, %gather3A_284, %gather3A_285] : memref<2x64x600xf32, #tpu.memory_space<vmem>> -> memref<1x64x600xf32, #tpu.memory_space<vmem>>
    %gather3A_287 = tpu.memref_squeeze %gather3A_286 : memref<1x64x600xf32, #tpu.memory_space<vmem>> -> memref<64x600xf32, #tpu.memory_space<vmem>>
    %gather3A_288 = tpu.vector_load_idx %gather3A_287[%add3A_280, %get3A_282] : memref<64x600xf32, #tpu.memory_space<vmem>>[vector<16xi32>, vector<16xi32>], vector<16xf32>,
    %swap3A_289 = arith.constant 176 : index
    %swap3A_290 = tpu.vector_load %arg7[%swap3A_289] {strides = array<i32>} : memref<512xf32, #tpu.memory_space<vmem>>, vector<16xf32>,
    tpu.vector_store %arg7[%swap3A_289], %gather3A_288 {strides = array<i32>} : memref<512xf32, #tpu.memory_space<vmem>>, vector<16xf32>,
    %add3A_291 = arith.constant 256 : i32
    %add3A_292 = arith.addi %mul3A_2, %add3A_291 : i32
    %dma_start3A_293 = arith.constant 0 : i32
    %dma_start3A_294 = arith.constant 0 : i32
    %dma_start3A_295 = arith.constant 0 : i32
    %dma_start3A_296 = arith.constant 0 : i32
    %dma_start3A_297 = tpu.memref_slice %arg6[%dma_start3A_293, %dma_start3A_295, %dma_start3A_296] : memref<2x64x600xf32, #tpu.memory_space<vmem>> -> memref<1x64x600xf32, #tpu.memory_space<vmem>>
    %dma_start3A_298 = tpu.memref_squeeze %dma_start3A_297 : memref<1x64x600xf32, #tpu.memory_space<vmem>> -> memref<64x600xf32, #tpu.memory_space<vmem>>
    %dma_start3A_299 = arith.constant 0 : i32
    %dma_start3A_300 = tpu.memref_slice %arg3[%add3A_292, %dma_start3A_299] : memref<16384x600xf32, #tpu.memory_space<hbm>> -> memref<64x600xf32, #tpu.memory_space<hbm>>
    %dma_start3A_301 = tpu.memref_slice %arg8[%dma_start3A_294] : memref<2x!tpu.dma_semaphore, #tpu.memory_space<semaphore_mem>> -> memref<1x!tpu.dma_semaphore, #tpu.memory_space<semaphore_mem>>
    %dma_start3A_302 = tpu.memref_squeeze %dma_start3A_301 : memref<1x!tpu.dma_semaphore, #tpu.memory_space<semaphore_mem>> -> memref<!tpu.dma_semaphore, #tpu.memory_space<semaphore_mem>>
    %dma_start3A_303 = arith.constant 0 : i32
    %dma_start3A_304 = arith.constant 0 : i32
    %dma_start3A_305 = tpu.memref_slice %arg6[%dma_start3A_293, %dma_start3A_303, %dma_start3A_304] : memref<2x64x600xf32, #tpu.memory_space<vmem>> -> memref<1x64x600xf32, #tpu.memory_space<vmem>>
    %dma_start3A_306 = tpu.memref_squeeze %dma_start3A_305 : memref<1x64x600xf32, #tpu.memory_space<vmem>> -> memref<64x600xf32, #tpu.memory_space<vmem>>
    %dma_start3A_307 = arith.constant 0 : i32
    %dma_start3A_308 = tpu.memref_slice %arg3[%add3A_292, %dma_start3A_307] : memref<16384x600xf32, #tpu.memory_space<hbm>> -> memref<64x600xf32, #tpu.memory_space<hbm>>
    tpu.enqueue_dma source(%dma_start3A_308 : memref<64x600xf32, #tpu.memory_space<hbm>>) target(%dma_start3A_306 : memref<64x600xf32, #tpu.memory_space<vmem>>) target_semaphore(%dma_start3A_302 : memref<!tpu.dma_semaphore, #tpu.memory_space<semaphore_mem>>)
    %add3A_309 = arith.constant 192 : i32
    %add3A_310 = arith.addi %mul3A_2, %add3A_309 : i32
    %dma_wait3A_311 = arith.constant 1 : i32
    %dma_wait3A_312 = arith.constant 1 : i32
    %dma_wait3A_313 = arith.constant 0 : i32
    %dma_wait3A_314 = arith.constant 0 : i32
    %dma_wait3A_315 = tpu.memref_slice %arg6[%dma_wait3A_311, %dma_wait3A_313, %dma_wait3A_314] : memref<2x64x600xf32, #tpu.memory_space<vmem>> -> memref<1x64x600xf32, #tpu.memory_space<vmem>>
    %dma_wait3A_316 = tpu.memref_squeeze %dma_wait3A_315 : memref<1x64x600xf32, #tpu.memory_space<vmem>> -> memref<64x600xf32, #tpu.memory_space<vmem>>
    %dma_wait3A_317 = arith.constant 0 : i32
    %dma_wait3A_318 = tpu.memref_slice %arg3[%add3A_310, %dma_wait3A_317] : memref<16384x600xf32, #tpu.memory_space<hbm>> -> memref<64x600xf32, #tpu.memory_space<hbm>>
    %dma_wait3A_319 = tpu.memref_slice %arg8[%dma_wait3A_312] : memref<2x!tpu.dma_semaphore, #tpu.memory_space<semaphore_mem>> -> memref<1x!tpu.dma_semaphore, #tpu.memory_space<semaphore_mem>>
    %dma_wait3A_320 = tpu.memref_squeeze %dma_wait3A_319 : memref<1x!tpu.dma_semaphore, #tpu.memory_space<semaphore_mem>> -> memref<!tpu.dma_semaphore, #tpu.memory_space<semaphore_mem>>
    %dma_wait3A_321 = arith.constant 0 : i32
    %dma_wait3A_322 = arith.constant 0 : i32
    %dma_wait3A_323 = tpu.memref_slice %arg6[%dma_wait3A_311, %dma_wait3A_321, %dma_wait3A_322] : memref<2x64x600xf32, #tpu.memory_space<vmem>> -> memref<1x64x600xf32, #tpu.memory_space<vmem>>
    %dma_wait3A_324 = tpu.memref_squeeze %dma_wait3A_323 : memref<1x64x600xf32, #tpu.memory_space<vmem>> -> memref<64x600xf32, #tpu.memory_space<vmem>>
    %dma_wait3A_325 = arith.constant 0 : i32
    %dma_wait3A_326 = tpu.memref_slice %arg3[%add3A_310, %dma_wait3A_325] : memref<16384x600xf32, #tpu.memory_space<hbm>> -> memref<64x600xf32, #tpu.memory_space<hbm>>
    tpu.wait_dma2 semaphore(%dma_wait3A_320 : memref<!tpu.dma_semaphore, #tpu.memory_space<semaphore_mem>>) src(%dma_wait3A_326 : memref<64x600xf32, #tpu.memory_space<hbm>>) dst(%dma_wait3A_324 : memref<64x600xf32, #tpu.memory_space<vmem>>)
    %iota3A_327 = tpu.iota {dimensions = array<i32: 0>} : vector<16xi32>
    %add3A_328 = arith.constant 0 : i32
    %add3A_329 = vector.broadcast %add3A_328 : i32 to vector<16xi32>
    %add3A_330 = arith.addi %iota3A_327, %add3A_329 : vector<16xi32>
    %get3A_331 = arith.constant 192 : index
    %get3A_332 = tpu.vector_load %arg5[%get3A_331] {strides = array<i32>} : memref<512xi32, #tpu.memory_space<vmem>>, vector<16xi32>,
    %gather3A_333 = arith.constant 1 : i32
    %gather3A_334 = arith.constant 0 : i32
    %gather3A_335 = arith.constant 0 : i32
    %gather3A_336 = tpu.memref_slice %arg6[%gather3A_333, %gather3A_334, %gather3A_335] : memref<2x64x600xf32, #tpu.memory_space<vmem>> -> memref<1x64x600xf32, #tpu.memory_space<vmem>>
    %gather3A_337 = tpu.memref_squeeze %gather3A_336 : memref<1x64x600xf32, #tpu.memory_space<vmem>> -> memref<64x600xf32, #tpu.memory_space<vmem>>
    %gather3A_338 = tpu.vector_load_idx %gather3A_337[%add3A_330, %get3A_332] : memref<64x600xf32, #tpu.memory_space<vmem>>[vector<16xi32>, vector<16xi32>], vector<16xf32>,
    %swap3A_339 = arith.constant 192 : index
    %swap3A_340 = tpu.vector_load %arg7[%swap3A_339] {strides = array<i32>} : memref<512xf32, #tpu.memory_space<vmem>>, vector<16xf32>,
    tpu.vector_store %arg7[%swap3A_339], %gather3A_338 {strides = array<i32>} : memref<512xf32, #tpu.memory_space<vmem>>, vector<16xf32>,
    %iota3A_341 = tpu.iota {dimensions = array<i32: 0>} : vector<16xi32>
    %add3A_342 = arith.constant 16 : i32
    %add3A_343 = vector.broadcast %add3A_342 : i32 to vector<16xi32>
    %add3A_344 = arith.addi %iota3A_341, %add3A_343 : vector<16xi32>
    %get3A_345 = arith.constant 208 : index
    %get3A_346 = tpu.vector_load %arg5[%get3A_345] {strides = array<i32>} : memref<512xi32, #tpu.memory_space<vmem>>, vector<16xi32>,
    %gather3A_347 = arith.constant 1 : i32
    %gather3A_348 = arith.constant 0 : i32
    %gather3A_349 = arith.constant 0 : i32
    %gather3A_350 = tpu.memref_slice %arg6[%gather3A_347, %gather3A_348, %gather3A_349] : memref<2x64x600xf32, #tpu.memory_space<vmem>> -> memref<1x64x600xf32, #tpu.memory_space<vmem>>
    %gather3A_351 = tpu.memref_squeeze %gather3A_350 : memref<1x64x600xf32, #tpu.memory_space<vmem>> -> memref<64x600xf32, #tpu.memory_space<vmem>>
    %gather3A_352 = tpu.vector_load_idx %gather3A_351[%add3A_344, %get3A_346] : memref<64x600xf32, #tpu.memory_space<vmem>>[vector<16xi32>, vector<16xi32>], vector<16xf32>,
    %swap3A_353 = arith.constant 208 : index
    %swap3A_354 = tpu.vector_load %arg7[%swap3A_353] {strides = array<i32>} : memref<512xf32, #tpu.memory_space<vmem>>, vector<16xf32>,
    tpu.vector_store %arg7[%swap3A_353], %gather3A_352 {strides = array<i32>} : memref<512xf32, #tpu.memory_space<vmem>>, vector<16xf32>,
    %iota3A_355 = tpu.iota {dimensions = array<i32: 0>} : vector<16xi32>
    %add3A_356 = arith.constant 32 : i32
    %add3A_357 = vector.broadcast %add3A_356 : i32 to vector<16xi32>
    %add3A_358 = arith.addi %iota3A_355, %add3A_357 : vector<16xi32>
    %get3A_359 = arith.constant 224 : index
    %get3A_360 = tpu.vector_load %arg5[%get3A_359] {strides = array<i32>} : memref<512xi32, #tpu.memory_space<vmem>>, vector<16xi32>,
    %gather3A_361 = arith.constant 1 : i32
    %gather3A_362 = arith.constant 0 : i32
    %gather3A_363 = arith.constant 0 : i32
    %gather3A_364 = tpu.memref_slice %arg6[%gather3A_361, %gather3A_362, %gather3A_363] : memref<2x64x600xf32, #tpu.memory_space<vmem>> -> memref<1x64x600xf32, #tpu.memory_space<vmem>>
    %gather3A_365 = tpu.memref_squeeze %gather3A_364 : memref<1x64x600xf32, #tpu.memory_space<vmem>> -> memref<64x600xf32, #tpu.memory_space<vmem>>
    %gather3A_366 = tpu.vector_load_idx %gather3A_365[%add3A_358, %get3A_360] : memref<64x600xf32, #tpu.memory_space<vmem>>[vector<16xi32>, vector<16xi32>], vector<16xf32>,
    %swap3A_367 = arith.constant 224 : index
    %swap3A_368 = tpu.vector_load %arg7[%swap3A_367] {strides = array<i32>} : memref<512xf32, #tpu.memory_space<vmem>>, vector<16xf32>,
    tpu.vector_store %arg7[%swap3A_367], %gather3A_366 {strides = array<i32>} : memref<512xf32, #tpu.memory_space<vmem>>, vector<16xf32>,
    %iota3A_369 = tpu.iota {dimensions = array<i32: 0>} : vector<16xi32>
    %add3A_370 = arith.constant 48 : i32
    %add3A_371 = vector.broadcast %add3A_370 : i32 to vector<16xi32>
    %add3A_372 = arith.addi %iota3A_369, %add3A_371 : vector<16xi32>
    %get3A_373 = arith.constant 240 : index
    %get3A_374 = tpu.vector_load %arg5[%get3A_373] {strides = array<i32>} : memref<512xi32, #tpu.memory_space<vmem>>, vector<16xi32>,
    %gather3A_375 = arith.constant 1 : i32
    %gather3A_376 = arith.constant 0 : i32
    %gather3A_377 = arith.constant 0 : i32
    %gather3A_378 = tpu.memref_slice %arg6[%gather3A_375, %gather3A_376, %gather3A_377] : memref<2x64x600xf32, #tpu.memory_space<vmem>> -> memref<1x64x600xf32, #tpu.memory_space<vmem>>
    %gather3A_379 = tpu.memref_squeeze %gather3A_378 : memref<1x64x600xf32, #tpu.memory_space<vmem>> -> memref<64x600xf32, #tpu.memory_space<vmem>>
    %gather3A_380 = tpu.vector_load_idx %gather3A_379[%add3A_372, %get3A_374] : memref<64x600xf32, #tpu.memory_space<vmem>>[vector<16xi32>, vector<16xi32>], vector<16xf32>,
    %swap3A_381 = arith.constant 240 : index
    %swap3A_382 = tpu.vector_load %arg7[%swap3A_381] {strides = array<i32>} : memref<512xf32, #tpu.memory_space<vmem>>, vector<16xf32>,
    tpu.vector_store %arg7[%swap3A_381], %gather3A_380 {strides = array<i32>} : memref<512xf32, #tpu.memory_space<vmem>>, vector<16xf32>,
    %add3A_383 = arith.constant 320 : i32
    %add3A_384 = arith.addi %mul3A_2, %add3A_383 : i32
    %dma_start3A_385 = arith.constant 1 : i32
    %dma_start3A_386 = arith.constant 1 : i32
    %dma_start3A_387 = arith.constant 0 : i32
    %dma_start3A_388 = arith.constant 0 : i32
    %dma_start3A_389 = tpu.memref_slice %arg6[%dma_start3A_385, %dma_start3A_387, %dma_start3A_388] : memref<2x64x600xf32, #tpu.memory_space<vmem>> -> memref<1x64x600xf32, #tpu.memory_space<vmem>>
    %dma_start3A_390 = tpu.memref_squeeze %dma_start3A_389 : memref<1x64x600xf32, #tpu.memory_space<vmem>> -> memref<64x600xf32, #tpu.memory_space<vmem>>
    %dma_start3A_391 = arith.constant 0 : i32
    %dma_start3A_392 = tpu.memref_slice %arg3[%add3A_384, %dma_start3A_391] : memref<16384x600xf32, #tpu.memory_space<hbm>> -> memref<64x600xf32, #tpu.memory_space<hbm>>
    %dma_start3A_393 = tpu.memref_slice %arg8[%dma_start3A_386] : memref<2x!tpu.dma_semaphore, #tpu.memory_space<semaphore_mem>> -> memref<1x!tpu.dma_semaphore, #tpu.memory_space<semaphore_mem>>
    %dma_start3A_394 = tpu.memref_squeeze %dma_start3A_393 : memref<1x!tpu.dma_semaphore, #tpu.memory_space<semaphore_mem>> -> memref<!tpu.dma_semaphore, #tpu.memory_space<semaphore_mem>>
    %dma_start3A_395 = arith.constant 0 : i32
    %dma_start3A_396 = arith.constant 0 : i32
    %dma_start3A_397 = tpu.memref_slice %arg6[%dma_start3A_385, %dma_start3A_395, %dma_start3A_396] : memref<2x64x600xf32, #tpu.memory_space<vmem>> -> memref<1x64x600xf32, #tpu.memory_space<vmem>>
    %dma_start3A_398 = tpu.memref_squeeze %dma_start3A_397 : memref<1x64x600xf32, #tpu.memory_space<vmem>> -> memref<64x600xf32, #tpu.memory_space<vmem>>
    %dma_start3A_399 = arith.constant 0 : i32
    %dma_start3A_400 = tpu.memref_slice %arg3[%add3A_384, %dma_start3A_399] : memref<16384x600xf32, #tpu.memory_space<hbm>> -> memref<64x600xf32, #tpu.memory_space<hbm>>
    tpu.enqueue_dma source(%dma_start3A_400 : memref<64x600xf32, #tpu.memory_space<hbm>>) target(%dma_start3A_398 : memref<64x600xf32, #tpu.memory_space<vmem>>) target_semaphore(%dma_start3A_394 : memref<!tpu.dma_semaphore, #tpu.memory_space<semaphore_mem>>)
    %add3A_401 = arith.constant 256 : i32
    %add3A_402 = arith.addi %mul3A_2, %add3A_401 : i32
    %dma_wait3A_403 = arith.constant 0 : i32
    %dma_wait3A_404 = arith.constant 0 : i32
    %dma_wait3A_405 = arith.constant 0 : i32
    %dma_wait3A_406 = arith.constant 0 : i32
    %dma_wait3A_407 = tpu.memref_slice %arg6[%dma_wait3A_403, %dma_wait3A_405, %dma_wait3A_406] : memref<2x64x600xf32, #tpu.memory_space<vmem>> -> memref<1x64x600xf32, #tpu.memory_space<vmem>>
    %dma_wait3A_408 = tpu.memref_squeeze %dma_wait3A_407 : memref<1x64x600xf32, #tpu.memory_space<vmem>> -> memref<64x600xf32, #tpu.memory_space<vmem>>
    %dma_wait3A_409 = arith.constant 0 : i32
    %dma_wait3A_410 = tpu.memref_slice %arg3[%add3A_402, %dma_wait3A_409] : memref<16384x600xf32, #tpu.memory_space<hbm>> -> memref<64x600xf32, #tpu.memory_space<hbm>>
    %dma_wait3A_411 = tpu.memref_slice %arg8[%dma_wait3A_404] : memref<2x!tpu.dma_semaphore, #tpu.memory_space<semaphore_mem>> -> memref<1x!tpu.dma_semaphore, #tpu.memory_space<semaphore_mem>>
    %dma_wait3A_412 = tpu.memref_squeeze %dma_wait3A_411 : memref<1x!tpu.dma_semaphore, #tpu.memory_space<semaphore_mem>> -> memref<!tpu.dma_semaphore, #tpu.memory_space<semaphore_mem>>
    %dma_wait3A_413 = arith.constant 0 : i32
    %dma_wait3A_414 = arith.constant 0 : i32
    %dma_wait3A_415 = tpu.memref_slice %arg6[%dma_wait3A_403, %dma_wait3A_413, %dma_wait3A_414] : memref<2x64x600xf32, #tpu.memory_space<vmem>> -> memref<1x64x600xf32, #tpu.memory_space<vmem>>
    %dma_wait3A_416 = tpu.memref_squeeze %dma_wait3A_415 : memref<1x64x600xf32, #tpu.memory_space<vmem>> -> memref<64x600xf32, #tpu.memory_space<vmem>>
    %dma_wait3A_417 = arith.constant 0 : i32
    %dma_wait3A_418 = tpu.memref_slice %arg3[%add3A_402, %dma_wait3A_417] : memref<16384x600xf32, #tpu.memory_space<hbm>> -> memref<64x600xf32, #tpu.memory_space<hbm>>
    tpu.wait_dma2 semaphore(%dma_wait3A_412 : memref<!tpu.dma_semaphore, #tpu.memory_space<semaphore_mem>>) src(%dma_wait3A_418 : memref<64x600xf32, #tpu.memory_space<hbm>>) dst(%dma_wait3A_416 : memref<64x600xf32, #tpu.memory_space<vmem>>)
    %iota3A_419 = tpu.iota {dimensions = array<i32: 0>} : vector<16xi32>
    %add3A_420 = arith.constant 0 : i32
    %add3A_421 = vector.broadcast %add3A_420 : i32 to vector<16xi32>
    %add3A_422 = arith.addi %iota3A_419, %add3A_421 : vector<16xi32>
    %get3A_423 = arith.constant 256 : index
    %get3A_424 = tpu.vector_load %arg5[%get3A_423] {strides = array<i32>} : memref<512xi32, #tpu.memory_space<vmem>>, vector<16xi32>,
    %gather3A_425 = arith.constant 0 : i32
    %gather3A_426 = arith.constant 0 : i32
    %gather3A_427 = arith.constant 0 : i32
    %gather3A_428 = tpu.memref_slice %arg6[%gather3A_425, %gather3A_426, %gather3A_427] : memref<2x64x600xf32, #tpu.memory_space<vmem>> -> memref<1x64x600xf32, #tpu.memory_space<vmem>>
    %gather3A_429 = tpu.memref_squeeze %gather3A_428 : memref<1x64x600xf32, #tpu.memory_space<vmem>> -> memref<64x600xf32, #tpu.memory_space<vmem>>
    %gather3A_430 = tpu.vector_load_idx %gather3A_429[%add3A_422, %get3A_424] : memref<64x600xf32, #tpu.memory_space<vmem>>[vector<16xi32>, vector<16xi32>], vector<16xf32>,
    %swap3A_431 = arith.constant 256 : index
    %swap3A_432 = tpu.vector_load %arg7[%swap3A_431] {strides = array<i32>} : memref<512xf32, #tpu.memory_space<vmem>>, vector<16xf32>,
    tpu.vector_store %arg7[%swap3A_431], %gather3A_430 {strides = array<i32>} : memref<512xf32, #tpu.memory_space<vmem>>, vector<16xf32>,
    %iota3A_433 = tpu.iota {dimensions = array<i32: 0>} : vector<16xi32>
    %add3A_434 = arith.constant 16 : i32
    %add3A_435 = vector.broadcast %add3A_434 : i32 to vector<16xi32>
    %add3A_436 = arith.addi %iota3A_433, %add3A_435 : vector<16xi32>
    %get3A_437 = arith.constant 272 : index
    %get3A_438 = tpu.vector_load %arg5[%get3A_437] {strides = array<i32>} : memref<512xi32, #tpu.memory_space<vmem>>, vector<16xi32>,
    %gather3A_439 = arith.constant 0 : i32
    %gather3A_440 = arith.constant 0 : i32
    %gather3A_441 = arith.constant 0 : i32
    %gather3A_442 = tpu.memref_slice %arg6[%gather3A_439, %gather3A_440, %gather3A_441] : memref<2x64x600xf32, #tpu.memory_space<vmem>> -> memref<1x64x600xf32, #tpu.memory_space<vmem>>
    %gather3A_443 = tpu.memref_squeeze %gather3A_442 : memref<1x64x600xf32, #tpu.memory_space<vmem>> -> memref<64x600xf32, #tpu.memory_space<vmem>>
    %gather3A_444 = tpu.vector_load_idx %gather3A_443[%add3A_436, %get3A_438] : memref<64x600xf32, #tpu.memory_space<vmem>>[vector<16xi32>, vector<16xi32>], vector<16xf32>,
    %swap3A_445 = arith.constant 272 : index
    %swap3A_446 = tpu.vector_load %arg7[%swap3A_445] {strides = array<i32>} : memref<512xf32, #tpu.memory_space<vmem>>, vector<16xf32>,
    tpu.vector_store %arg7[%swap3A_445], %gather3A_444 {strides = array<i32>} : memref<512xf32, #tpu.memory_space<vmem>>, vector<16xf32>,
    %iota3A_447 = tpu.iota {dimensions = array<i32: 0>} : vector<16xi32>
    %add3A_448 = arith.constant 32 : i32
    %add3A_449 = vector.broadcast %add3A_448 : i32 to vector<16xi32>
    %add3A_450 = arith.addi %iota3A_447, %add3A_449 : vector<16xi32>
    %get3A_451 = arith.constant 288 : index
    %get3A_452 = tpu.vector_load %arg5[%get3A_451] {strides = array<i32>} : memref<512xi32, #tpu.memory_space<vmem>>, vector<16xi32>,
    %gather3A_453 = arith.constant 0 : i32
    %gather3A_454 = arith.constant 0 : i32
    %gather3A_455 = arith.constant 0 : i32
    %gather3A_456 = tpu.memref_slice %arg6[%gather3A_453, %gather3A_454, %gather3A_455] : memref<2x64x600xf32, #tpu.memory_space<vmem>> -> memref<1x64x600xf32, #tpu.memory_space<vmem>>
    %gather3A_457 = tpu.memref_squeeze %gather3A_456 : memref<1x64x600xf32, #tpu.memory_space<vmem>> -> memref<64x600xf32, #tpu.memory_space<vmem>>
    %gather3A_458 = tpu.vector_load_idx %gather3A_457[%add3A_450, %get3A_452] : memref<64x600xf32, #tpu.memory_space<vmem>>[vector<16xi32>, vector<16xi32>], vector<16xf32>,
    %swap3A_459 = arith.constant 288 : index
    %swap3A_460 = tpu.vector_load %arg7[%swap3A_459] {strides = array<i32>} : memref<512xf32, #tpu.memory_space<vmem>>, vector<16xf32>,
    tpu.vector_store %arg7[%swap3A_459], %gather3A_458 {strides = array<i32>} : memref<512xf32, #tpu.memory_space<vmem>>, vector<16xf32>,
    %iota3A_461 = tpu.iota {dimensions = array<i32: 0>} : vector<16xi32>
    %add3A_462 = arith.constant 48 : i32
    %add3A_463 = vector.broadcast %add3A_462 : i32 to vector<16xi32>
    %add3A_464 = arith.addi %iota3A_461, %add3A_463 : vector<16xi32>
    %get3A_465 = arith.constant 304 : index
    %get3A_466 = tpu.vector_load %arg5[%get3A_465] {strides = array<i32>} : memref<512xi32, #tpu.memory_space<vmem>>, vector<16xi32>,
    %gather3A_467 = arith.constant 0 : i32
    %gather3A_468 = arith.constant 0 : i32
    %gather3A_469 = arith.constant 0 : i32
    %gather3A_470 = tpu.memref_slice %arg6[%gather3A_467, %gather3A_468, %gather3A_469] : memref<2x64x600xf32, #tpu.memory_space<vmem>> -> memref<1x64x600xf32, #tpu.memory_space<vmem>>
    %gather3A_471 = tpu.memref_squeeze %gather3A_470 : memref<1x64x600xf32, #tpu.memory_space<vmem>> -> memref<64x600xf32, #tpu.memory_space<vmem>>
    %gather3A_472 = tpu.vector_load_idx %gather3A_471[%add3A_464, %get3A_466] : memref<64x600xf32, #tpu.memory_space<vmem>>[vector<16xi32>, vector<16xi32>], vector<16xf32>,
    %swap3A_473 = arith.constant 304 : index
    %swap3A_474 = tpu.vector_load %arg7[%swap3A_473] {strides = array<i32>} : memref<512xf32, #tpu.memory_space<vmem>>, vector<16xf32>,
    tpu.vector_store %arg7[%swap3A_473], %gather3A_472 {strides = array<i32>} : memref<512xf32, #tpu.memory_space<vmem>>, vector<16xf32>,
    %add3A_475 = arith.constant 384 : i32
    %add3A_476 = arith.addi %mul3A_2, %add3A_475 : i32
    %dma_start3A_477 = arith.constant 0 : i32
    %dma_start3A_478 = arith.constant 0 : i32
    %dma_start3A_479 = arith.constant 0 : i32
    %dma_start3A_480 = arith.constant 0 : i32
    %dma_start3A_481 = tpu.memref_slice %arg6[%dma_start3A_477, %dma_start3A_479, %dma_start3A_480] : memref<2x64x600xf32, #tpu.memory_space<vmem>> -> memref<1x64x600xf32, #tpu.memory_space<vmem>>
    %dma_start3A_482 = tpu.memref_squeeze %dma_start3A_481 : memref<1x64x600xf32, #tpu.memory_space<vmem>> -> memref<64x600xf32, #tpu.memory_space<vmem>>
    %dma_start3A_483 = arith.constant 0 : i32
    %dma_start3A_484 = tpu.memref_slice %arg3[%add3A_476, %dma_start3A_483] : memref<16384x600xf32, #tpu.memory_space<hbm>> -> memref<64x600xf32, #tpu.memory_space<hbm>>
    %dma_start3A_485 = tpu.memref_slice %arg8[%dma_start3A_478] : memref<2x!tpu.dma_semaphore, #tpu.memory_space<semaphore_mem>> -> memref<1x!tpu.dma_semaphore, #tpu.memory_space<semaphore_mem>>
    %dma_start3A_486 = tpu.memref_squeeze %dma_start3A_485 : memref<1x!tpu.dma_semaphore, #tpu.memory_space<semaphore_mem>> -> memref<!tpu.dma_semaphore, #tpu.memory_space<semaphore_mem>>
    %dma_start3A_487 = arith.constant 0 : i32
    %dma_start3A_488 = arith.constant 0 : i32
    %dma_start3A_489 = tpu.memref_slice %arg6[%dma_start3A_477, %dma_start3A_487, %dma_start3A_488] : memref<2x64x600xf32, #tpu.memory_space<vmem>> -> memref<1x64x600xf32, #tpu.memory_space<vmem>>
    %dma_start3A_490 = tpu.memref_squeeze %dma_start3A_489 : memref<1x64x600xf32, #tpu.memory_space<vmem>> -> memref<64x600xf32, #tpu.memory_space<vmem>>
    %dma_start3A_491 = arith.constant 0 : i32
    %dma_start3A_492 = tpu.memref_slice %arg3[%add3A_476, %dma_start3A_491] : memref<16384x600xf32, #tpu.memory_space<hbm>> -> memref<64x600xf32, #tpu.memory_space<hbm>>
    tpu.enqueue_dma source(%dma_start3A_492 : memref<64x600xf32, #tpu.memory_space<hbm>>) target(%dma_start3A_490 : memref<64x600xf32, #tpu.memory_space<vmem>>) target_semaphore(%dma_start3A_486 : memref<!tpu.dma_semaphore, #tpu.memory_space<semaphore_mem>>)
    %add3A_493 = arith.constant 320 : i32
    %add3A_494 = arith.addi %mul3A_2, %add3A_493 : i32
    %dma_wait3A_495 = arith.constant 1 : i32
    %dma_wait3A_496 = arith.constant 1 : i32
    %dma_wait3A_497 = arith.constant 0 : i32
    %dma_wait3A_498 = arith.constant 0 : i32
    %dma_wait3A_499 = tpu.memref_slice %arg6[%dma_wait3A_495, %dma_wait3A_497, %dma_wait3A_498] : memref<2x64x600xf32, #tpu.memory_space<vmem>> -> memref<1x64x600xf32, #tpu.memory_space<vmem>>
    %dma_wait3A_500 = tpu.memref_squeeze %dma_wait3A_499 : memref<1x64x600xf32, #tpu.memory_space<vmem>> -> memref<64x600xf32, #tpu.memory_space<vmem>>
    %dma_wait3A_501 = arith.constant 0 : i32
    %dma_wait3A_502 = tpu.memref_slice %arg3[%add3A_494, %dma_wait3A_501] : memref<16384x600xf32, #tpu.memory_space<hbm>> -> memref<64x600xf32, #tpu.memory_space<hbm>>
    %dma_wait3A_503 = tpu.memref_slice %arg8[%dma_wait3A_496] : memref<2x!tpu.dma_semaphore, #tpu.memory_space<semaphore_mem>> -> memref<1x!tpu.dma_semaphore, #tpu.memory_space<semaphore_mem>>
    %dma_wait3A_504 = tpu.memref_squeeze %dma_wait3A_503 : memref<1x!tpu.dma_semaphore, #tpu.memory_space<semaphore_mem>> -> memref<!tpu.dma_semaphore, #tpu.memory_space<semaphore_mem>>
    %dma_wait3A_505 = arith.constant 0 : i32
    %dma_wait3A_506 = arith.constant 0 : i32
    %dma_wait3A_507 = tpu.memref_slice %arg6[%dma_wait3A_495, %dma_wait3A_505, %dma_wait3A_506] : memref<2x64x600xf32, #tpu.memory_space<vmem>> -> memref<1x64x600xf32, #tpu.memory_space<vmem>>
    %dma_wait3A_508 = tpu.memref_squeeze %dma_wait3A_507 : memref<1x64x600xf32, #tpu.memory_space<vmem>> -> memref<64x600xf32, #tpu.memory_space<vmem>>
    %dma_wait3A_509 = arith.constant 0 : i32
    %dma_wait3A_510 = tpu.memref_slice %arg3[%add3A_494, %dma_wait3A_509] : memref<16384x600xf32, #tpu.memory_space<hbm>> -> memref<64x600xf32, #tpu.memory_space<hbm>>
    tpu.wait_dma2 semaphore(%dma_wait3A_504 : memref<!tpu.dma_semaphore, #tpu.memory_space<semaphore_mem>>) src(%dma_wait3A_510 : memref<64x600xf32, #tpu.memory_space<hbm>>) dst(%dma_wait3A_508 : memref<64x600xf32, #tpu.memory_space<vmem>>)
    %iota3A_511 = tpu.iota {dimensions = array<i32: 0>} : vector<16xi32>
    %add3A_512 = arith.constant 0 : i32
    %add3A_513 = vector.broadcast %add3A_512 : i32 to vector<16xi32>
    %add3A_514 = arith.addi %iota3A_511, %add3A_513 : vector<16xi32>
    %get3A_515 = arith.constant 320 : index
    %get3A_516 = tpu.vector_load %arg5[%get3A_515] {strides = array<i32>} : memref<512xi32, #tpu.memory_space<vmem>>, vector<16xi32>,
    %gather3A_517 = arith.constant 1 : i32
    %gather3A_518 = arith.constant 0 : i32
    %gather3A_519 = arith.constant 0 : i32
    %gather3A_520 = tpu.memref_slice %arg6[%gather3A_517, %gather3A_518, %gather3A_519] : memref<2x64x600xf32, #tpu.memory_space<vmem>> -> memref<1x64x600xf32, #tpu.memory_space<vmem>>
    %gather3A_521 = tpu.memref_squeeze %gather3A_520 : memref<1x64x600xf32, #tpu.memory_space<vmem>> -> memref<64x600xf32, #tpu.memory_space<vmem>>
    %gather3A_522 = tpu.vector_load_idx %gather3A_521[%add3A_514, %get3A_516] : memref<64x600xf32, #tpu.memory_space<vmem>>[vector<16xi32>, vector<16xi32>], vector<16xf32>,
    %swap3A_523 = arith.constant 320 : index
    %swap3A_524 = tpu.vector_load %arg7[%swap3A_523] {strides = array<i32>} : memref<512xf32, #tpu.memory_space<vmem>>, vector<16xf32>,
    tpu.vector_store %arg7[%swap3A_523], %gather3A_522 {strides = array<i32>} : memref<512xf32, #tpu.memory_space<vmem>>, vector<16xf32>,
    %iota3A_525 = tpu.iota {dimensions = array<i32: 0>} : vector<16xi32>
    %add3A_526 = arith.constant 16 : i32
    %add3A_527 = vector.broadcast %add3A_526 : i32 to vector<16xi32>
    %add3A_528 = arith.addi %iota3A_525, %add3A_527 : vector<16xi32>
    %get3A_529 = arith.constant 336 : index
    %get3A_530 = tpu.vector_load %arg5[%get3A_529] {strides = array<i32>} : memref<512xi32, #tpu.memory_space<vmem>>, vector<16xi32>,
    %gather3A_531 = arith.constant 1 : i32
    %gather3A_532 = arith.constant 0 : i32
    %gather3A_533 = arith.constant 0 : i32
    %gather3A_534 = tpu.memref_slice %arg6[%gather3A_531, %gather3A_532, %gather3A_533] : memref<2x64x600xf32, #tpu.memory_space<vmem>> -> memref<1x64x600xf32, #tpu.memory_space<vmem>>
    %gather3A_535 = tpu.memref_squeeze %gather3A_534 : memref<1x64x600xf32, #tpu.memory_space<vmem>> -> memref<64x600xf32, #tpu.memory_space<vmem>>
    %gather3A_536 = tpu.vector_load_idx %gather3A_535[%add3A_528, %get3A_530] : memref<64x600xf32, #tpu.memory_space<vmem>>[vector<16xi32>, vector<16xi32>], vector<16xf32>,
    %swap3A_537 = arith.constant 336 : index
    %swap3A_538 = tpu.vector_load %arg7[%swap3A_537] {strides = array<i32>} : memref<512xf32, #tpu.memory_space<vmem>>, vector<16xf32>,
    tpu.vector_store %arg7[%swap3A_537], %gather3A_536 {strides = array<i32>} : memref<512xf32, #tpu.memory_space<vmem>>, vector<16xf32>,
    %iota3A_539 = tpu.iota {dimensions = array<i32: 0>} : vector<16xi32>
    %add3A_540 = arith.constant 32 : i32
    %add3A_541 = vector.broadcast %add3A_540 : i32 to vector<16xi32>
    %add3A_542 = arith.addi %iota3A_539, %add3A_541 : vector<16xi32>
    %get3A_543 = arith.constant 352 : index
    %get3A_544 = tpu.vector_load %arg5[%get3A_543] {strides = array<i32>} : memref<512xi32, #tpu.memory_space<vmem>>, vector<16xi32>,
    %gather3A_545 = arith.constant 1 : i32
    %gather3A_546 = arith.constant 0 : i32
    %gather3A_547 = arith.constant 0 : i32
    %gather3A_548 = tpu.memref_slice %arg6[%gather3A_545, %gather3A_546, %gather3A_547] : memref<2x64x600xf32, #tpu.memory_space<vmem>> -> memref<1x64x600xf32, #tpu.memory_space<vmem>>
    %gather3A_549 = tpu.memref_squeeze %gather3A_548 : memref<1x64x600xf32, #tpu.memory_space<vmem>> -> memref<64x600xf32, #tpu.memory_space<vmem>>
    %gather3A_550 = tpu.vector_load_idx %gather3A_549[%add3A_542, %get3A_544] : memref<64x600xf32, #tpu.memory_space<vmem>>[vector<16xi32>, vector<16xi32>], vector<16xf32>,
    %swap3A_551 = arith.constant 352 : index
    %swap3A_552 = tpu.vector_load %arg7[%swap3A_551] {strides = array<i32>} : memref<512xf32, #tpu.memory_space<vmem>>, vector<16xf32>,
    tpu.vector_store %arg7[%swap3A_551], %gather3A_550 {strides = array<i32>} : memref<512xf32, #tpu.memory_space<vmem>>, vector<16xf32>,
    %iota3A_553 = tpu.iota {dimensions = array<i32: 0>} : vector<16xi32>
    %add3A_554 = arith.constant 48 : i32
    %add3A_555 = vector.broadcast %add3A_554 : i32 to vector<16xi32>
    %add3A_556 = arith.addi %iota3A_553, %add3A_555 : vector<16xi32>
    %get3A_557 = arith.constant 368 : index
    %get3A_558 = tpu.vector_load %arg5[%get3A_557] {strides = array<i32>} : memref<512xi32, #tpu.memory_space<vmem>>, vector<16xi32>,
    %gather3A_559 = arith.constant 1 : i32
    %gather3A_560 = arith.constant 0 : i32
    %gather3A_561 = arith.constant 0 : i32
    %gather3A_562 = tpu.memref_slice %arg6[%gather3A_559, %gather3A_560, %gather3A_561] : memref<2x64x600xf32, #tpu.memory_space<vmem>> -> memref<1x64x600xf32, #tpu.memory_space<vmem>>
    %gather3A_563 = tpu.memref_squeeze %gather3A_562 : memref<1x64x600xf32, #tpu.memory_space<vmem>> -> memref<64x600xf32, #tpu.memory_space<vmem>>
    %gather3A_564 = tpu.vector_load_idx %gather3A_563[%add3A_556, %get3A_558] : memref<64x600xf32, #tpu.memory_space<vmem>>[vector<16xi32>, vector<16xi32>], vector<16xf32>,
    %swap3A_565 = arith.constant 368 : index
    %swap3A_566 = tpu.vector_load %arg7[%swap3A_565] {strides = array<i32>} : memref<512xf32, #tpu.memory_space<vmem>>, vector<16xf32>,
    tpu.vector_store %arg7[%swap3A_565], %gather3A_564 {strides = array<i32>} : memref<512xf32, #tpu.memory_space<vmem>>, vector<16xf32>,
    %add3A_567 = arith.constant 448 : i32
    %add3A_568 = arith.addi %mul3A_2, %add3A_567 : i32
    %dma_start3A_569 = arith.constant 1 : i32
    %dma_start3A_570 = arith.constant 1 : i32
    %dma_start3A_571 = arith.constant 0 : i32
    %dma_start3A_572 = arith.constant 0 : i32
    %dma_start3A_573 = tpu.memref_slice %arg6[%dma_start3A_569, %dma_start3A_571, %dma_start3A_572] : memref<2x64x600xf32, #tpu.memory_space<vmem>> -> memref<1x64x600xf32, #tpu.memory_space<vmem>>
    %dma_start3A_574 = tpu.memref_squeeze %dma_start3A_573 : memref<1x64x600xf32, #tpu.memory_space<vmem>> -> memref<64x600xf32, #tpu.memory_space<vmem>>
    %dma_start3A_575 = arith.constant 0 : i32
    %dma_start3A_576 = tpu.memref_slice %arg3[%add3A_568, %dma_start3A_575] : memref<16384x600xf32, #tpu.memory_space<hbm>> -> memref<64x600xf32, #tpu.memory_space<hbm>>
    %dma_start3A_577 = tpu.memref_slice %arg8[%dma_start3A_570] : memref<2x!tpu.dma_semaphore, #tpu.memory_space<semaphore_mem>> -> memref<1x!tpu.dma_semaphore, #tpu.memory_space<semaphore_mem>>
    %dma_start3A_578 = tpu.memref_squeeze %dma_start3A_577 : memref<1x!tpu.dma_semaphore, #tpu.memory_space<semaphore_mem>> -> memref<!tpu.dma_semaphore, #tpu.memory_space<semaphore_mem>>
    %dma_start3A_579 = arith.constant 0 : i32
    %dma_start3A_580 = arith.constant 0 : i32
    %dma_start3A_581 = tpu.memref_slice %arg6[%dma_start3A_569, %dma_start3A_579, %dma_start3A_580] : memref<2x64x600xf32, #tpu.memory_space<vmem>> -> memref<1x64x600xf32, #tpu.memory_space<vmem>>
    %dma_start3A_582 = tpu.memref_squeeze %dma_start3A_581 : memref<1x64x600xf32, #tpu.memory_space<vmem>> -> memref<64x600xf32, #tpu.memory_space<vmem>>
    %dma_start3A_583 = arith.constant 0 : i32
    %dma_start3A_584 = tpu.memref_slice %arg3[%add3A_568, %dma_start3A_583] : memref<16384x600xf32, #tpu.memory_space<hbm>> -> memref<64x600xf32, #tpu.memory_space<hbm>>
    tpu.enqueue_dma source(%dma_start3A_584 : memref<64x600xf32, #tpu.memory_space<hbm>>) target(%dma_start3A_582 : memref<64x600xf32, #tpu.memory_space<vmem>>) target_semaphore(%dma_start3A_578 : memref<!tpu.dma_semaphore, #tpu.memory_space<semaphore_mem>>)
    %add3A_585 = arith.constant 384 : i32
    %add3A_586 = arith.addi %mul3A_2, %add3A_585 : i32
    %dma_wait3A_587 = arith.constant 0 : i32
    %dma_wait3A_588 = arith.constant 0 : i32
    %dma_wait3A_589 = arith.constant 0 : i32
    %dma_wait3A_590 = arith.constant 0 : i32
    %dma_wait3A_591 = tpu.memref_slice %arg6[%dma_wait3A_587, %dma_wait3A_589, %dma_wait3A_590] : memref<2x64x600xf32, #tpu.memory_space<vmem>> -> memref<1x64x600xf32, #tpu.memory_space<vmem>>
    %dma_wait3A_592 = tpu.memref_squeeze %dma_wait3A_591 : memref<1x64x600xf32, #tpu.memory_space<vmem>> -> memref<64x600xf32, #tpu.memory_space<vmem>>
    %dma_wait3A_593 = arith.constant 0 : i32
    %dma_wait3A_594 = tpu.memref_slice %arg3[%add3A_586, %dma_wait3A_593] : memref<16384x600xf32, #tpu.memory_space<hbm>> -> memref<64x600xf32, #tpu.memory_space<hbm>>
    %dma_wait3A_595 = tpu.memref_slice %arg8[%dma_wait3A_588] : memref<2x!tpu.dma_semaphore, #tpu.memory_space<semaphore_mem>> -> memref<1x!tpu.dma_semaphore, #tpu.memory_space<semaphore_mem>>
    %dma_wait3A_596 = tpu.memref_squeeze %dma_wait3A_595 : memref<1x!tpu.dma_semaphore, #tpu.memory_space<semaphore_mem>> -> memref<!tpu.dma_semaphore, #tpu.memory_space<semaphore_mem>>
    %dma_wait3A_597 = arith.constant 0 : i32
    %dma_wait3A_598 = arith.constant 0 : i32
    %dma_wait3A_599 = tpu.memref_slice %arg6[%dma_wait3A_587, %dma_wait3A_597, %dma_wait3A_598] : memref<2x64x600xf32, #tpu.memory_space<vmem>> -> memref<1x64x600xf32, #tpu.memory_space<vmem>>
    %dma_wait3A_600 = tpu.memref_squeeze %dma_wait3A_599 : memref<1x64x600xf32, #tpu.memory_space<vmem>> -> memref<64x600xf32, #tpu.memory_space<vmem>>
    %dma_wait3A_601 = arith.constant 0 : i32
    %dma_wait3A_602 = tpu.memref_slice %arg3[%add3A_586, %dma_wait3A_601] : memref<16384x600xf32, #tpu.memory_space<hbm>> -> memref<64x600xf32, #tpu.memory_space<hbm>>
    tpu.wait_dma2 semaphore(%dma_wait3A_596 : memref<!tpu.dma_semaphore, #tpu.memory_space<semaphore_mem>>) src(%dma_wait3A_602 : memref<64x600xf32, #tpu.memory_space<hbm>>) dst(%dma_wait3A_600 : memref<64x600xf32, #tpu.memory_space<vmem>>)
    %iota3A_603 = tpu.iota {dimensions = array<i32: 0>} : vector<16xi32>
    %add3A_604 = arith.constant 0 : i32
    %add3A_605 = vector.broadcast %add3A_604 : i32 to vector<16xi32>
    %add3A_606 = arith.addi %iota3A_603, %add3A_605 : vector<16xi32>
    %get3A_607 = arith.constant 384 : index
    %get3A_608 = tpu.vector_load %arg5[%get3A_607] {strides = array<i32>} : memref<512xi32, #tpu.memory_space<vmem>>, vector<16xi32>,
    %gather3A_609 = arith.constant 0 : i32
    %gather3A_610 = arith.constant 0 : i32
    %gather3A_611 = arith.constant 0 : i32
    %gather3A_612 = tpu.memref_slice %arg6[%gather3A_609, %gather3A_610, %gather3A_611] : memref<2x64x600xf32, #tpu.memory_space<vmem>> -> memref<1x64x600xf32, #tpu.memory_space<vmem>>
    %gather3A_613 = tpu.memref_squeeze %gather3A_612 : memref<1x64x600xf32, #tpu.memory_space<vmem>> -> memref<64x600xf32, #tpu.memory_space<vmem>>
    %gather3A_614 = tpu.vector_load_idx %gather3A_613[%add3A_606, %get3A_608] : memref<64x600xf32, #tpu.memory_space<vmem>>[vector<16xi32>, vector<16xi32>], vector<16xf32>,
    %swap3A_615 = arith.constant 384 : index
    %swap3A_616 = tpu.vector_load %arg7[%swap3A_615] {strides = array<i32>} : memref<512xf32, #tpu.memory_space<vmem>>, vector<16xf32>,
    tpu.vector_store %arg7[%swap3A_615], %gather3A_614 {strides = array<i32>} : memref<512xf32, #tpu.memory_space<vmem>>, vector<16xf32>,
    %iota3A_617 = tpu.iota {dimensions = array<i32: 0>} : vector<16xi32>
    %add3A_618 = arith.constant 16 : i32
    %add3A_619 = vector.broadcast %add3A_618 : i32 to vector<16xi32>
    %add3A_620 = arith.addi %iota3A_617, %add3A_619 : vector<16xi32>
    %get3A_621 = arith.constant 400 : index
    %get3A_622 = tpu.vector_load %arg5[%get3A_621] {strides = array<i32>} : memref<512xi32, #tpu.memory_space<vmem>>, vector<16xi32>,
    %gather3A_623 = arith.constant 0 : i32
    %gather3A_624 = arith.constant 0 : i32
    %gather3A_625 = arith.constant 0 : i32
    %gather3A_626 = tpu.memref_slice %arg6[%gather3A_623, %gather3A_624, %gather3A_625] : memref<2x64x600xf32, #tpu.memory_space<vmem>> -> memref<1x64x600xf32, #tpu.memory_space<vmem>>
    %gather3A_627 = tpu.memref_squeeze %gather3A_626 : memref<1x64x600xf32, #tpu.memory_space<vmem>> -> memref<64x600xf32, #tpu.memory_space<vmem>>
    %gather3A_628 = tpu.vector_load_idx %gather3A_627[%add3A_620, %get3A_622] : memref<64x600xf32, #tpu.memory_space<vmem>>[vector<16xi32>, vector<16xi32>], vector<16xf32>,
    %swap3A_629 = arith.constant 400 : index
    %swap3A_630 = tpu.vector_load %arg7[%swap3A_629] {strides = array<i32>} : memref<512xf32, #tpu.memory_space<vmem>>, vector<16xf32>,
    tpu.vector_store %arg7[%swap3A_629], %gather3A_628 {strides = array<i32>} : memref<512xf32, #tpu.memory_space<vmem>>, vector<16xf32>,
    %iota3A_631 = tpu.iota {dimensions = array<i32: 0>} : vector<16xi32>
    %add3A_632 = arith.constant 32 : i32
    %add3A_633 = vector.broadcast %add3A_632 : i32 to vector<16xi32>
    %add3A_634 = arith.addi %iota3A_631, %add3A_633 : vector<16xi32>
    %get3A_635 = arith.constant 416 : index
    %get3A_636 = tpu.vector_load %arg5[%get3A_635] {strides = array<i32>} : memref<512xi32, #tpu.memory_space<vmem>>, vector<16xi32>,
    %gather3A_637 = arith.constant 0 : i32
    %gather3A_638 = arith.constant 0 : i32
    %gather3A_639 = arith.constant 0 : i32
    %gather3A_640 = tpu.memref_slice %arg6[%gather3A_637, %gather3A_638, %gather3A_639] : memref<2x64x600xf32, #tpu.memory_space<vmem>> -> memref<1x64x600xf32, #tpu.memory_space<vmem>>
    %gather3A_641 = tpu.memref_squeeze %gather3A_640 : memref<1x64x600xf32, #tpu.memory_space<vmem>> -> memref<64x600xf32, #tpu.memory_space<vmem>>
    %gather3A_642 = tpu.vector_load_idx %gather3A_641[%add3A_634, %get3A_636] : memref<64x600xf32, #tpu.memory_space<vmem>>[vector<16xi32>, vector<16xi32>], vector<16xf32>,
    %swap3A_643 = arith.constant 416 : index
    %swap3A_644 = tpu.vector_load %arg7[%swap3A_643] {strides = array<i32>} : memref<512xf32, #tpu.memory_space<vmem>>, vector<16xf32>,
    tpu.vector_store %arg7[%swap3A_643], %gather3A_642 {strides = array<i32>} : memref<512xf32, #tpu.memory_space<vmem>>, vector<16xf32>,
    %iota3A_645 = tpu.iota {dimensions = array<i32: 0>} : vector<16xi32>
    %add3A_646 = arith.constant 48 : i32
    %add3A_647 = vector.broadcast %add3A_646 : i32 to vector<16xi32>
    %add3A_648 = arith.addi %iota3A_645, %add3A_647 : vector<16xi32>
    %get3A_649 = arith.constant 432 : index
    %get3A_650 = tpu.vector_load %arg5[%get3A_649] {strides = array<i32>} : memref<512xi32, #tpu.memory_space<vmem>>, vector<16xi32>,
    %gather3A_651 = arith.constant 0 : i32
    %gather3A_652 = arith.constant 0 : i32
    %gather3A_653 = arith.constant 0 : i32
    %gather3A_654 = tpu.memref_slice %arg6[%gather3A_651, %gather3A_652, %gather3A_653] : memref<2x64x600xf32, #tpu.memory_space<vmem>> -> memref<1x64x600xf32, #tpu.memory_space<vmem>>
    %gather3A_655 = tpu.memref_squeeze %gather3A_654 : memref<1x64x600xf32, #tpu.memory_space<vmem>> -> memref<64x600xf32, #tpu.memory_space<vmem>>
    %gather3A_656 = tpu.vector_load_idx %gather3A_655[%add3A_648, %get3A_650] : memref<64x600xf32, #tpu.memory_space<vmem>>[vector<16xi32>, vector<16xi32>], vector<16xf32>,
    %swap3A_657 = arith.constant 432 : index
    %swap3A_658 = tpu.vector_load %arg7[%swap3A_657] {strides = array<i32>} : memref<512xf32, #tpu.memory_space<vmem>>, vector<16xf32>,
    tpu.vector_store %arg7[%swap3A_657], %gather3A_656 {strides = array<i32>} : memref<512xf32, #tpu.memory_space<vmem>>, vector<16xf32>,
    %add3A_659 = arith.constant 448 : i32
    %add3A_660 = arith.addi %mul3A_2, %add3A_659 : i32
    %dma_wait3A_661 = arith.constant 1 : i32
    %dma_wait3A_662 = arith.constant 1 : i32
    %dma_wait3A_663 = arith.constant 0 : i32
    %dma_wait3A_664 = arith.constant 0 : i32
    %dma_wait3A_665 = tpu.memref_slice %arg6[%dma_wait3A_661, %dma_wait3A_663, %dma_wait3A_664] : memref<2x64x600xf32, #tpu.memory_space<vmem>> -> memref<1x64x600xf32, #tpu.memory_space<vmem>>
    %dma_wait3A_666 = tpu.memref_squeeze %dma_wait3A_665 : memref<1x64x600xf32, #tpu.memory_space<vmem>> -> memref<64x600xf32, #tpu.memory_space<vmem>>
    %dma_wait3A_667 = arith.constant 0 : i32
    %dma_wait3A_668 = tpu.memref_slice %arg3[%add3A_660, %dma_wait3A_667] : memref<16384x600xf32, #tpu.memory_space<hbm>> -> memref<64x600xf32, #tpu.memory_space<hbm>>
    %dma_wait3A_669 = tpu.memref_slice %arg8[%dma_wait3A_662] : memref<2x!tpu.dma_semaphore, #tpu.memory_space<semaphore_mem>> -> memref<1x!tpu.dma_semaphore, #tpu.memory_space<semaphore_mem>>
    %dma_wait3A_670 = tpu.memref_squeeze %dma_wait3A_669 : memref<1x!tpu.dma_semaphore, #tpu.memory_space<semaphore_mem>> -> memref<!tpu.dma_semaphore, #tpu.memory_space<semaphore_mem>>
    %dma_wait3A_671 = arith.constant 0 : i32
    %dma_wait3A_672 = arith.constant 0 : i32
    %dma_wait3A_673 = tpu.memref_slice %arg6[%dma_wait3A_661, %dma_wait3A_671, %dma_wait3A_672] : memref<2x64x600xf32, #tpu.memory_space<vmem>> -> memref<1x64x600xf32, #tpu.memory_space<vmem>>
    %dma_wait3A_674 = tpu.memref_squeeze %dma_wait3A_673 : memref<1x64x600xf32, #tpu.memory_space<vmem>> -> memref<64x600xf32, #tpu.memory_space<vmem>>
    %dma_wait3A_675 = arith.constant 0 : i32
    %dma_wait3A_676 = tpu.memref_slice %arg3[%add3A_660, %dma_wait3A_675] : memref<16384x600xf32, #tpu.memory_space<hbm>> -> memref<64x600xf32, #tpu.memory_space<hbm>>
    tpu.wait_dma2 semaphore(%dma_wait3A_670 : memref<!tpu.dma_semaphore, #tpu.memory_space<semaphore_mem>>) src(%dma_wait3A_676 : memref<64x600xf32, #tpu.memory_space<hbm>>) dst(%dma_wait3A_674 : memref<64x600xf32, #tpu.memory_space<vmem>>)
    %iota3A_677 = tpu.iota {dimensions = array<i32: 0>} : vector<16xi32>
    %add3A_678 = arith.constant 0 : i32
    %add3A_679 = vector.broadcast %add3A_678 : i32 to vector<16xi32>
    %add3A_680 = arith.addi %iota3A_677, %add3A_679 : vector<16xi32>
    %get3A_681 = arith.constant 448 : index
    %get3A_682 = tpu.vector_load %arg5[%get3A_681] {strides = array<i32>} : memref<512xi32, #tpu.memory_space<vmem>>, vector<16xi32>,
    %gather3A_683 = arith.constant 1 : i32
    %gather3A_684 = arith.constant 0 : i32
    %gather3A_685 = arith.constant 0 : i32
    %gather3A_686 = tpu.memref_slice %arg6[%gather3A_683, %gather3A_684, %gather3A_685] : memref<2x64x600xf32, #tpu.memory_space<vmem>> -> memref<1x64x600xf32, #tpu.memory_space<vmem>>
    %gather3A_687 = tpu.memref_squeeze %gather3A_686 : memref<1x64x600xf32, #tpu.memory_space<vmem>> -> memref<64x600xf32, #tpu.memory_space<vmem>>
    %gather3A_688 = tpu.vector_load_idx %gather3A_687[%add3A_680, %get3A_682] : memref<64x600xf32, #tpu.memory_space<vmem>>[vector<16xi32>, vector<16xi32>], vector<16xf32>,
    %swap3A_689 = arith.constant 448 : index
    %swap3A_690 = tpu.vector_load %arg7[%swap3A_689] {strides = array<i32>} : memref<512xf32, #tpu.memory_space<vmem>>, vector<16xf32>,
    tpu.vector_store %arg7[%swap3A_689], %gather3A_688 {strides = array<i32>} : memref<512xf32, #tpu.memory_space<vmem>>, vector<16xf32>,
    %iota3A_691 = tpu.iota {dimensions = array<i32: 0>} : vector<16xi32>
    %add3A_692 = arith.constant 16 : i32
    %add3A_693 = vector.broadcast %add3A_692 : i32 to vector<16xi32>
    %add3A_694 = arith.addi %iota3A_691, %add3A_693 : vector<16xi32>
    %get3A_695 = arith.constant 464 : index
    %get3A_696 = tpu.vector_load %arg5[%get3A_695] {strides = array<i32>} : memref<512xi32, #tpu.memory_space<vmem>>, vector<16xi32>,
    %gather3A_697 = arith.constant 1 : i32
    %gather3A_698 = arith.constant 0 : i32
    %gather3A_699 = arith.constant 0 : i32
    %gather3A_700 = tpu.memref_slice %arg6[%gather3A_697, %gather3A_698, %gather3A_699] : memref<2x64x600xf32, #tpu.memory_space<vmem>> -> memref<1x64x600xf32, #tpu.memory_space<vmem>>
    %gather3A_701 = tpu.memref_squeeze %gather3A_700 : memref<1x64x600xf32, #tpu.memory_space<vmem>> -> memref<64x600xf32, #tpu.memory_space<vmem>>
    %gather3A_702 = tpu.vector_load_idx %gather3A_701[%add3A_694, %get3A_696] : memref<64x600xf32, #tpu.memory_space<vmem>>[vector<16xi32>, vector<16xi32>], vector<16xf32>,
    %swap3A_703 = arith.constant 464 : index
    %swap3A_704 = tpu.vector_load %arg7[%swap3A_703] {strides = array<i32>} : memref<512xf32, #tpu.memory_space<vmem>>, vector<16xf32>,
    tpu.vector_store %arg7[%swap3A_703], %gather3A_702 {strides = array<i32>} : memref<512xf32, #tpu.memory_space<vmem>>, vector<16xf32>,
    %iota3A_705 = tpu.iota {dimensions = array<i32: 0>} : vector<16xi32>
    %add3A_706 = arith.constant 32 : i32
    %add3A_707 = vector.broadcast %add3A_706 : i32 to vector<16xi32>
    %add3A_708 = arith.addi %iota3A_705, %add3A_707 : vector<16xi32>
    %get3A_709 = arith.constant 480 : index
    %get3A_710 = tpu.vector_load %arg5[%get3A_709] {strides = array<i32>} : memref<512xi32, #tpu.memory_space<vmem>>, vector<16xi32>,
    %gather3A_711 = arith.constant 1 : i32
    %gather3A_712 = arith.constant 0 : i32
    %gather3A_713 = arith.constant 0 : i32
    %gather3A_714 = tpu.memref_slice %arg6[%gather3A_711, %gather3A_712, %gather3A_713] : memref<2x64x600xf32, #tpu.memory_space<vmem>> -> memref<1x64x600xf32, #tpu.memory_space<vmem>>
    %gather3A_715 = tpu.memref_squeeze %gather3A_714 : memref<1x64x600xf32, #tpu.memory_space<vmem>> -> memref<64x600xf32, #tpu.memory_space<vmem>>
    %gather3A_716 = tpu.vector_load_idx %gather3A_715[%add3A_708, %get3A_710] : memref<64x600xf32, #tpu.memory_space<vmem>>[vector<16xi32>, vector<16xi32>], vector<16xf32>,
    %swap3A_717 = arith.constant 480 : index
    %swap3A_718 = tpu.vector_load %arg7[%swap3A_717] {strides = array<i32>} : memref<512xf32, #tpu.memory_space<vmem>>, vector<16xf32>,
    tpu.vector_store %arg7[%swap3A_717], %gather3A_716 {strides = array<i32>} : memref<512xf32, #tpu.memory_space<vmem>>, vector<16xf32>,
    %iota3A_719 = tpu.iota {dimensions = array<i32: 0>} : vector<16xi32>
    %add3A_720 = arith.constant 48 : i32
    %add3A_721 = vector.broadcast %add3A_720 : i32 to vector<16xi32>
    %add3A_722 = arith.addi %iota3A_719, %add3A_721 : vector<16xi32>
    %get3A_723 = arith.constant 496 : index
    %get3A_724 = tpu.vector_load %arg5[%get3A_723] {strides = array<i32>} : memref<512xi32, #tpu.memory_space<vmem>>, vector<16xi32>,
    %gather3A_725 = arith.constant 1 : i32
    %gather3A_726 = arith.constant 0 : i32
    %gather3A_727 = arith.constant 0 : i32
    %gather3A_728 = tpu.memref_slice %arg6[%gather3A_725, %gather3A_726, %gather3A_727] : memref<2x64x600xf32, #tpu.memory_space<vmem>> -> memref<1x64x600xf32, #tpu.memory_space<vmem>>
    %gather3A_729 = tpu.memref_squeeze %gather3A_728 : memref<1x64x600xf32, #tpu.memory_space<vmem>> -> memref<64x600xf32, #tpu.memory_space<vmem>>
    %gather3A_730 = tpu.vector_load_idx %gather3A_729[%add3A_722, %get3A_724] : memref<64x600xf32, #tpu.memory_space<vmem>>[vector<16xi32>, vector<16xi32>], vector<16xf32>,
    %swap3A_731 = arith.constant 496 : index
    %swap3A_732 = tpu.vector_load %arg7[%swap3A_731] {strides = array<i32>} : memref<512xf32, #tpu.memory_space<vmem>>, vector<16xf32>,
    tpu.vector_store %arg7[%swap3A_731], %gather3A_730 {strides = array<i32>} : memref<512xf32, #tpu.memory_space<vmem>>, vector<16xf32>,
    "tpu.region"() ({
      %run_scoped3A = tpu.sem_alloc : memref<!tpu.dma_semaphore, #tpu.memory_space<semaphore_mem>>
      %dma_start3A_733 = tpu.memref_slice %arg4[%mul3A_2] : memref<16384xf32, #tpu.memory_space<hbm>> -> memref<512xf32, #tpu.memory_space<hbm>>
      %dma_start3A_734 = tpu.memref_slice %arg4[%mul3A_2] : memref<16384xf32, #tpu.memory_space<hbm>> -> memref<512xf32, #tpu.memory_space<hbm>>
      tpu.enqueue_dma source(%arg7 : memref<512xf32, #tpu.memory_space<vmem>>) target(%dma_start3A_734 : memref<512xf32, #tpu.memory_space<hbm>>) target_semaphore(%run_scoped3A : memref<!tpu.dma_semaphore, #tpu.memory_space<semaphore_mem>>)
      %dma_wait3A_735 = tpu.memref_slice %arg4[%mul3A_2] : memref<16384xf32, #tpu.memory_space<hbm>> -> memref<512xf32, #tpu.memory_space<hbm>>
      %dma_wait3A_736 = tpu.memref_slice %arg4[%mul3A_2] : memref<16384xf32, #tpu.memory_space<hbm>> -> memref<512xf32, #tpu.memory_space<hbm>>
      tpu.wait_dma2 semaphore(%run_scoped3A : memref<!tpu.dma_semaphore, #tpu.memory_space<semaphore_mem>>) src(%arg7 : memref<512xf32, #tpu.memory_space<vmem>>) dst(%dma_wait3A_736 : memref<512xf32, #tpu.memory_space<hbm>>)
      tpu.yield
    }) : () -> ()
    return
  }
}

module attributes {stable_mosaic.version = 14 : i64} {
  func.func @body(%arg0: i32, %arg1: memref<2048x600xf32, #tpu.memory_space<vmem>>, %arg2: memref<16x128xi32, #tpu.memory_space<vmem>>, %arg3: memref<2048xf32, #tpu.memory_space<vmem>>, %arg4: memref<1x1xf32, #tpu.memory_space<smem>>) attributes {dimension_semantics = [#tpu.dimension_semantics<arbitrary>], iteration_bounds = array<i64: 8>, scalar_prefetch = 0 : i64, scratch_operands = 0 : i64, tpu.core_type = #tpu.core_type<tc>, window_params = [{transform_indices = @transform_0, window_bounds = array<i64: 2048, 600>}, {transform_indices = @transform_1, window_bounds = array<i64: 16, 128>}, {transform_indices = @transform_2, window_bounds = array<i64: 2048>}, {transform_indices = @transform_3, window_bounds = array<i64: 1, 1>}]} {
    %eq3A = arith.constant 0 : i32
    %eq3A_0 = arith.cmpi eq, %arg0, %eq3A : i32
    %convert_element_type3A = arith.extui %eq3A_0 : i1 to i32
    %cond3A = arith.constant 0 : i32
    %cond3A_1 = arith.cmpi ne, %convert_element_type3A, %cond3A : i32
    scf.if %cond3A_1 {
      %swap3A_40 = arith.constant 0.000000e+00 : f32
      %swap3A_41 = arith.constant 0 : index
      %swap3A_42 = arith.constant 0 : index
      %swap3A_43 = memref.load %arg4[%swap3A_41, %swap3A_42] : memref<1x1xf32, #tpu.memory_space<smem>>
      memref.store %swap3A_40, %arg4[%swap3A_41, %swap3A_42] : memref<1x1xf32, #tpu.memory_space<smem>>
    } else {
    }
    %get3A = arith.constant 0 : index
    %get3A_2 = arith.constant 0 : index
    %get3A_3 = vector.load %arg1[%get3A, %get3A_2] : memref<2048x600xf32, #tpu.memory_space<vmem>>, vector<2048x600xf32>
    %reshape3A = vector.shape_cast %get3A_3 : vector<2048x600xf32> to vector<16x128x600xf32>
    %iota3A = tpu.iota {dimensions = array<i32: 2>} : vector<16x128x600xi32>
    %get3A_4 = arith.constant 0 : index
    %get3A_5 = arith.constant 0 : index
    %get3A_6 = vector.load %arg2[%get3A_4, %get3A_5] : memref<16x128xi32, #tpu.memory_space<vmem>>, vector<16x128xi32>
    %broadcast_in_dim3A = vector.shape_cast %get3A_6 : vector<16x128xi32> to vector<16x128x1xi32>
    %eq3A_7 = vector.broadcast %broadcast_in_dim3A : vector<16x128x1xi32> to vector<16x128x600xi32>
    %eq3A_8 = arith.cmpi eq, %iota3A, %eq3A_7 : vector<16x128x600xi32>
    %reduce_max3A = arith.constant dense<0xFF800000> : vector<16x128xf32>
    %reduce_max3A_9 = vector.multi_reduction <maximumf>, %reshape3A, %reduce_max3A [2] : vector<16x128x600xf32> to vector<16x128xf32>
    %broadcast_in_dim3A_10 = vector.shape_cast %reduce_max3A_9 : vector<16x128xf32> to vector<16x128x1xf32>
    %sub3A = vector.broadcast %broadcast_in_dim3A_10 : vector<16x128x1xf32> to vector<16x128x600xf32>
    %sub3A_11 = arith.subf %reshape3A, %sub3A : vector<16x128x600xf32>
    %exp3A = math.exp %sub3A_11 : vector<16x128x600xf32>
    %reduce_sum3A = arith.constant dense<0.000000e+00> : vector<16x128xf32>
    %reduce_sum3A_12 = vector.multi_reduction <add>, %exp3A, %reduce_sum3A [2] : vector<16x128x600xf32> to vector<16x128xf32>
    %log3A = math.log %reduce_sum3A_12 : vector<16x128xf32>
    %add3A = arith.addf %reduce_max3A_9, %log3A : vector<16x128xf32>
    %jit3A = arith.constant 0.000000e+00 : f32
    %broadcast_in_dim3A_13 = vector.broadcast %jit3A : f32 to vector<16x128x600xf32>
    %select_n3A = arith.select %eq3A_8, %reshape3A, %broadcast_in_dim3A_13 : vector<16x128x600xi1>, vector<16x128x600xf32>
    %reduce_sum3A_14 = arith.constant dense<0.000000e+00> : vector<16x128xf32>
    %reduce_sum3A_15 = vector.multi_reduction <add>, %select_n3A, %reduce_sum3A_14 [2] : vector<16x128x600xf32> to vector<16x128xf32>
    %get3A_16 = arith.constant 0 : index
    %get3A_17 = vector.load %arg3[%get3A_16] : memref<2048xf32, #tpu.memory_space<vmem>>, vector<2048xf32>
    %reshape3A_18 = vector.shape_cast %get3A_17 : vector<2048xf32> to vector<16x128xf32>
    %mul3A = arith.constant 4.000000e+00 : f32
    %mul3A_19 = vector.broadcast %mul3A : f32 to vector<16x128xf32>
    %mul3A_20 = arith.mulf %mul3A_19, %reshape3A_18 : vector<16x128xf32>
    %exp3A_21 = math.exp %mul3A_20 : vector<16x128xf32>
    %add3A_22 = arith.constant 1.000000e+00 : f32
    %add3A_23 = vector.broadcast %add3A_22 : f32 to vector<16x128xf32>
    %add3A_24 = arith.addf %add3A_23, %exp3A_21 : vector<16x128xf32>
    %div3A = arith.constant 1.000000e+01 : f32
    %div3A_25 = vector.broadcast %div3A : f32 to vector<16x128xf32>
    %div3A_26 = arith.divf %div3A_25, %add3A_24 : vector<16x128xf32>
    %get3A_27 = arith.constant 0 : index
    %get3A_28 = arith.constant 0 : index
    %get3A_29 = memref.load %arg4[%get3A_27, %get3A_28] : memref<1x1xf32, #tpu.memory_space<smem>>
    %sub3A_30 = arith.subf %add3A, %reduce_sum3A_15 : vector<16x128xf32>
    %mul3A_31 = arith.mulf %div3A_26, %sub3A_30 : vector<16x128xf32>
    %reduce_sum3A_32 = vector.shape_cast %mul3A_31 : vector<16x128xf32> to vector<1x16x128xf32>
    %reduce_sum3A_33 = arith.constant dense<0.000000e+00> : vector<1xf32>
    %reduce_sum3A_34 = vector.multi_reduction <add>, %reduce_sum3A_32, %reduce_sum3A_33 [1, 2] : vector<1x16x128xf32> to vector<1xf32>
    %reduce_sum3A_35 = vector.shape_cast %reduce_sum3A_34 : vector<1xf32> to vector<1x1x1xf32>
    %reduce_sum3A_36 = vector.extract %reduce_sum3A_35[0, 0, 0] : f32 from vector<1x1x1xf32>
    %add3A_37 = arith.addf %get3A_29, %reduce_sum3A_36 : f32
    %swap3A = arith.constant 0 : index
    %swap3A_38 = arith.constant 0 : index
    %swap3A_39 = memref.load %arg4[%swap3A, %swap3A_38] : memref<1x1xf32, #tpu.memory_space<smem>>
    memref.store %add3A_37, %arg4[%swap3A, %swap3A_38] : memref<1x1xf32, #tpu.memory_space<smem>>
    return
  }
  func.func @transform_0(%arg0: i32) -> (i32, i32) {
    %c0_i32 = arith.constant 0 : i32
    %c0_i32_0 = arith.constant 0 : i32
    return %arg0, %c0_i32 : i32, i32
  }
  func.func @transform_1(%arg0: i32) -> (i32, i32) {
    %c0_i32 = arith.constant 0 : i32
    %c0_i32_0 = arith.constant 0 : i32
    return %arg0, %c0_i32 : i32, i32
  }
  func.func @transform_2(%arg0: i32) -> i32 {
    %c0_i32 = arith.constant 0 : i32
    return %arg0 : i32
  }
  func.func @transform_3(%arg0: i32) -> (i32, i32) {
    %c0_i32 = arith.constant 0 : i32
    %c0_i32_0 = arith.constant 0 : i32
    %c0_i32_1 = arith.constant 0 : i32
    return %c0_i32, %c0_i32_0 : i32, i32
  }
}

</mosaic_0001>

<sc_bundles>
// kernel: kernel.4.cloned.1.call-start
scs
__scs_entry_jumppad:
0x0: {  	(pc) =	sbr.rel $0x88, $3  }
0x1: {  	(tag) =	ssettag $0x0;
	lr =	simm.s32 $0x1  }
0x2: {  	[smem:$0x3F9E] =	sst lr;
	_ =	strace $0xD0000000  }
0x3: {  	_ = 	snop  }
0x4: {  	_ = 	snop  }
0x5: {  	_ = 	snop  }
0x6: {  	_ = 	snop  }
0x7: {  	_ = 	snop  }
__scs_overlays_trampoline_lowered:
0x8: {  	[smem:$0x3FAD] =	sst s0  }
0x9: {  	[smem:$0x3FAE] =	sst s1  }
0xa: {  	[smem:$0x3FAF] =	sst s2  }
0xb: {  	[smem:$0x3FB0] =	sst s3  }
0xc: {  	[smem:$0x3FB1] =	sst s4  }
0xd: {  	[smem:$0x3FB2] =	sst s5  }
0xe: {  	[smem:$0x3FB3] =	sst s6  }
0xf: {  	[smem:$0x3FB4] =	sst s7  }
0x10: {  	[smem:$0x3FB5] =	sst s8  }
0x11: {  	[smem:$0x3FB6] =	sst s9;
	s0 =	simm.s32 @!p0 $0x0  }
0x12: {  	s1 =	sld [smem:$0x3F9C];
	s0 =	simm.s32 @p0 $0x1  }
0x13: {  	[smem:$0x3FB7] =	sst s0;
	s0 =	simm.s32 @!p1 $0x0  }
0x14: {  	s2 =	sld [smem:$0x3F9B];
	s0 =	simm.s32 @p1 $0x1  }
0x15: {  	[smem:$0x3FB8] =	sst s0;
	s0 =	simm.s32 @!p2 $0x0  }
0x16: {  	s3 =	sld [smem:$0x3FDB];
	s0 =	simm.s32 @p2 $0x1  }
0x17: {  	s4 =	simm.s32 $0x1BF5;
	[smem:$0x3FBA] =	sst s0  }
0x18: {  	s0 =	sld [smem:$0x3F9D];
	_ =	swait.ge [sflag:s4], $0x0  }
0x19: {  	s7 =	sld [smem:$0x3F9E]  }
0x1a: {  	s8 =	sadd.s32 $0xFFFFE003, lr  }
0x1b: {  	s9 =	sadd.s32 $0xFFFFFEF7, lr;
	s5 =	simm.s32 $0xFFFFFFFF;
	p2 =	slt.u32 s8, $0xFFFFF086  }
0x1c: {  	p1 =	slt.u32 s9, $0xF7A;
	s5 =	simm.s32 @!p2 $0x0  }
0x1d: {  	s5 =	simm.s32 @p1 $0x1;
	p0 =	seq.s32 s7, s2  }
0x1e: {  	s7 =	smul.u32 @!p0 $0xF7A, s2;
	p2 =	seq.s32 @!p0 s5, $0x0  }
0x1f: {  	s9 =	smul.u32 $0xF7A, s1;
	s8 =	simm.s32 @!p0 $0x1BF5;
	p2 =	por !p2, p0  }
0x20: {  	[sflag:s8] =	ssyncset.s32 @!p0 $0xFFFFF086;
	s6 =	sadd.s32 @!p0 s3, s7;
	s7 =	simm.s32 @!p0 $0x108  }
0x21: {  	s3 =	sadd.s32 s3, s9;
	s6 =	sadd.s32 @!p0 $0x88, s6;
	s7 =	simm.s32 @p2 $0x1082  }
0x22: {  	[simem:s7], [sflag:s8] =	dma.local @!p0 [hbm:s6], $0xF7A  }
0x23: {  	s9 =	sor.u32 $0xD0000000, s2;
	s6 =	simm.s32 $0x108;
	_ =	swait.ge @!p0 [sflag:s8], $0x0  }
0x24: {  	s3 =	sadd.s32 $0x88, s3;
	s6 =	simm.s32 @!p1 $0x1082;
	[sflag:s4] =	ssyncset.s32 $0xFFFFF086  }
0x25: {  	[simem:s6], [sflag:s4] =	dma.local [hbm:s3], $0xF7A  }
0x26: {  	[smem:$0x3F9E] =	sst s1;
	(tag) =	ssettag s2;
	_ =	strace s9  }
0x27: {  	s1 =	sld [smem:$0x3FAE]  }
0x28: {  	s2 =	sld [smem:$0x3FAF]  }
0x29: {  	s4 =	sld [smem:$0x3FB1]  }
0x2a: {  	p0 =	seq.s32 s5, $0x0;
	s5 =	sld [smem:$0x3FB2]  }
0x2b: {  	s6 =	sld [smem:$0x3FB3]  }
0x2c: {  	s7 =	sld [smem:$0x3FB4]  }
0x2d: {  	s3 =	simm.s32 $0x108;
	s8 =	sld [smem:$0x3FB5]  }
0x2e: {  	s3 =	simm.s32 @!p0 $0x1082;
	s9 =	sld [smem:$0x3FB6]  }
0x2f: {  	lr =	sadd.s32 s0, s3;
	s0 =	sld [smem:$0x3FAD]  }
0x30: {  	s3 =	sld [smem:$0x3FB0]  }
0x31: {  	[smem:$0x3FB9] =	sst s10  }
0x32: {  	s10 =	sld [smem:$0x3FB7];
	_ =	sdelay $0x3  }
0x33: {  	p0 =	seq.s32 s10, $0x1;
	s10 =	sld [smem:$0x3FB9];
	_ =	sdelay $0x3  }
0x34: {  	[smem:$0x3FB9] =	sst s10  }
0x35: {  	s10 =	sld [smem:$0x3FB8];
	_ =	sdelay $0x3  }
0x36: {  	p1 =	seq.s32 s10, $0x1;
	s10 =	sld [smem:$0x3FB9];
	_ =	sdelay $0x3  }
0x37: {  	[smem:$0x3FB9] =	sst s10  }
0x38: {  	s10 =	sld [smem:$0x3FBA]  }
0x39: {  	_ = 	snop;
	(pc) =	sbr.ind lr, $3  }
0x3a: {  	_ = 	snop  }
0x3b: {  	_ = 	snop  }
0x3c: {  	p2 =	seq.s32 s10, $0x1;
	s10 =	sld [smem:$0x3FB9]  }
0x3d: {  	_ =	shalt  }
0x3e: {  	_ =	shalt  }
0x3f: {  	_ =	shalt  }
0x40: {  	_ =	shalt  }
0x41: {  	_ =	shalt  }
0x42: {  	_ =	shalt  }
0x43: {  	_ =	shalt  }
0x44: {  	_ =	shalt  }
0x45: {  	_ =	shalt  }
0x46: {  	_ =	shalt  }
0x47: {  	_ =	shalt  }
0x48: {  	_ =	shalt  }
0x49: {  	_ =	shalt  }
0x4a: {  	_ =	shalt  }
0x4b: {  	_ =	shalt  }
0x4c: {  	_ =	shalt  }
0x4d: {  	_ =	shalt  }
0x4e: {  	_ =	shalt  }
0x4f: {  	_ =	shalt  }
0x50: {  	_ =	shalt  }
0x51: {  	_ =	shalt  }
0x52: {  	_ =	shalt  }
0x53: {  	_ =	shalt  }
0x54: {  	_ =	shalt  }
0x55: {  	_ =	shalt  }
0x56: {  	_ =	shalt  }
0x57: {  	_ =	shalt  }
0x58: {  	_ =	shalt  }
0x59: {  	_ =	shalt  }
0x5a: {  	_ =	shalt  }
0x5b: {  	_ =	shalt  }
0x5c: {  	_ =	shalt  }
0x5d: {  	_ =	shalt  }
0x5e: {  	_ =	shalt  }
0x5f: {  	_ =	shalt  }
0x60: {  	_ =	shalt  }
0x61: {  	_ =	shalt  }
0x62: {  	_ =	shalt  }
0x63: {  	_ =	shalt  }
0x64: {  	_ =	shalt  }
0x65: {  	_ =	shalt  }
0x66: {  	_ =	shalt  }
0x67: {  	_ =	shalt  }
0x68: {  	_ =	shalt  }
0x69: {  	_ =	shalt  }
0x6a: {  	_ =	shalt  }
0x6b: {  	_ =	shalt  }
0x6c: {  	_ =	shalt  }
0x6d: {  	_ =	shalt  }
0x6e: {  	_ =	shalt  }
0x6f: {  	_ =	shalt  }
0x70: {  	_ =	shalt  }
0x71: {  	_ =	shalt  }
0x72: {  	_ =	shalt  }
0x73: {  	_ =	shalt  }
0x74: {  	_ =	shalt  }
0x75: {  	_ =	shalt  }
0x76: {  	_ =	shalt  }
0x77: {  	_ =	shalt  }
0x78: {  	_ =	shalt  }
0x79: {  	_ =	shalt  }
0x7a: {  	_ =	shalt  }
0x7b: {  	_ =	shalt  }
0x7c: {  	_ =	shalt  }
0x7d: {  	_ =	shalt  }
0x7e: {  	_ =	shalt  }
0x7f: {  	_ =	shalt  }
0x80: {  	_ =	shalt  }
0x81: {  	_ =	shalt  }
0x82: {  	_ =	shalt  }
0x83: {  	_ =	shalt  }
0x84: {  	_ =	shalt  }
0x85: {  	_ =	shalt  }
0x86: {  	_ =	shalt  }
0x87: {  	_ =	shalt  }
.Lfunc_end0:
.L_simem_size_0:
called_computation_lowered:
.L_overlay_start_0:
0x88: {  	s2 =	sld [smem:$0x3FD9]  }
0x89: {  	s3 =	sld [smem:$0x3FFE];
	_ =	sdelay $0x1  }
0x8a: {  	s1 =	srdreg.scid  }
0x8b: {  	s0 =	sand.u32 $0x1, s1  }
0x8c: {  	s17 =	sshll.u32 s0, $0xA;
	s2 =	sadd.s32 s3, s2  }
0x8d: {  	s2 =	sadd.s32 s2, s17  }
0x8e: {  	[smem:$0x3FC5] =	sst s2  }
0x8f: {  	_ = 	snop  }
0x90: {  	s2 =	sld [smem:$0x3FC7];
	(tm) =	ssettm $0x1  }
0x91: {  	s18 =	sld [smem:$0x3FFB];
	_ =	sdelay $0x3  }
0x92: {  	_ =	strace s18  }
0x93: {  	s3 =	sld [smem:$0x3FFC];
	_ =	sdelay $0x3  }
0x94: {  	_ =	strace s3  }
0x95: {  	s3 =	sld [smem:$0x3FFD];
	_ =	sdelay $0x3  }
0x96: {  	_ =	strace s3  }
0x97: {  	_ =	strace $0x8FFFFFFF  }
0x98: {  	s19 =	sld [smem:$0x3FDB];
	_ =	sdelay $0x1  }
0x99: {  	s4 =	simm.s32 $_scs_section_size  }
0x9a: {  	s5 =	simm.s32 $_size__tile_overlayer_lowered;
	s6 =	simm.s32 $_tile_overlayer_lowered  }
0x9b: {  	s22 =	simm.s32 $0x1BFF;
	s21 =	sshll.u32 s6, $0x1;
	s3 =	sadd.s32 s4, s19  }
0x9c: {  	s7 =	simm.s32 $0x0;
	s20 =	sshll.u32 s5, $0x1;
	s5 =	sadd.s32 s21, s3  }
0x9d: {  	[timem:s7], [sflag:s22] =	dma.local [hbm:s5], s20  }
0x9e: {  	_ =	swait.ge [sflag:s22], s20  }
0x9f: {  	s4 =	ssub.s32 $0x0, s20;
	[sflag:s22] =	ssyncset.done $0x0  }
0xa0: {  	[sflag:s22] =	ssyncadd.s32 s4;
	_ =	sdelay $0x1  }
0xa1: {  	s23 =	simm.s32 $0x1B8B  }
0xa2: {  	_ =	swait.ge [sflag:s23], $0x1  }
0xa3: {  	[sflag:s23] =	ssyncset.done $0x0  }
0xa4: {  	s25 =	simm.s32 $0x1B8E;
	s24 =	sld [smem:$0x3FFE];
	[sflag:s23] =	ssyncadd.s32 $0xFFFFFFFF  }
0xa5: {  	s26 =	simm.s32 $execute0_lowered;
	[smem:$0x3FD2] =	sst s25  }
0xa6: {  	s5 =	sshll.u32 s26, $0x1;
	_ =	strace $0x80000046;
	[dreg:$0x1] =	wrdreg $0xFFFFFFFF  }
0xa7: {  	s28 =	simm.s32 $_size_execute0_lowered;
	s3 =	sadd.s32 s3, s5;
	[dreg:$0x0] =	wrdreg $0x0  }
0xa8: {  	s5 =	sshll.u32 s28, $0x1;
	[dreg:$0x2] =	wrdreg s3  }
0xa9: {  	[dreg:$0x3] =	wrdreg s5  }
0xaa: {  	[dreg:$0x4] =	wrdreg $0xC0  }
0xab: {  	_ =	task [dreg:s7], $0x5FFFF  }
0xac: {  	[dreg:$0x1] =	wrdreg $0xFFFFFFFF  }
0xad: {  	[dreg:$0x0] =	wrdreg $0x60  }
0xae: {  	[dreg:$0x2] =	wrdreg s2  }
0xaf: {  	[dreg:$0x3] =	wrdreg s24  }
0xb0: {  	[dreg:$0x4] =	wrdreg $0x9  }
0xb1: {  	_ =	task.clear_ibuf [dreg:s7], $0x5FFFF;
	_ =	strace $0x90000046  }
0xb2: {  	s29 =	simm.s32 $0x9;
	_ =	strace $0x80000048  }
0xb3: {  	_ =	swait.ge [sflag:s29], $0x1  }
0xb4: {  	[sflag:s29] =	ssyncadd.s32 $0xFFFFFFFF  }
0xb5: {  	_ =	strace $0x90000048  }
0xb6: {  	_ =	sfence  }
0xb7: {  	s30 =	sld [smem:$0x0];
	_ =	sdelay $0x2  }
0xb8: {  	s31 =	sshll.u32 s1, $0xD;
	s1 =	sshrl.u32 s1, $0x2  }
0xb9: {  	s3 =	sand.u32 $0x4000, s31;
	s1 =	sadd.s32 s1, s30  }
0xba: {  	s0 =	sor.u32 s3, s0;
	s1 =	sshll.u32 s1, $0x11  }
0xbb: {  	s0 =	sor.u32 s1, s0  }
0xbc: {  	s0 =	sadd.s32 $0x8F2B, s0  }
0xbd: {  	[sflag:s0] =	ssyncadd.remote.s32 $0x1  }
0xbe: {  	_ =	sfence.sel $0xFFFF  }
0xbf: {  	[dreg:$0x0] =	wrdreg $0xFFFFFFFF;
	(pc) =	sbr.abs _section_cstart, $3  }
0xc0: {  	[dreg:$0x1] =	wrdreg $0xFFFFFFFF  }
0xc1: {  	_ =	task.clear_ibuf [dreg:s7], $0x2FFFF;
	_ =	strace $0x9FFFFFFF  }
0xc2: {  	(tm) =	ssettm $0x7FFFFFFF  }
0xc3: {  	_ =	shalt  }
tec
execute0_lowered:
.L_overlay_start_1:
0x0: {  	(tag) =	ssettag $0x1  }
0x1: {  	v0 =	vimm.s32 $0x1780  }
0x2: {  	vm14 =	vcmask $0x300;
	vm13 =	vcmask $0x704;
	vm12 =	vcmask $0xB08  }
0x3: {  	vm11 =	vcmask $0xF0C;
	vm10 =	vcmask $0x1310;
	vm9 =	vcmask $0x1714  }
0x4: {  	vm8 =	vcmask $0x1B18;
	vm7 =	vcmask $0x1F1C;
	vm6 =	vcmask $0x2320  }
0x5: {  	vm5 =	vcmask $0x2724;
	vm4 =	vcmask $0x2B28;
	vm3 =	vcmask $0x2F2C  }
0x6: {  	vm2 =	vcmask $0x3330;
	vm1 =	vcmask $0x3734;
	vm0 =	vcmask $0x3B38  }
0x7: {  	v1 =	vimm.s32 $0x3F80;
	v2 =	vimm.s32 $0x6780;
	v3 =	vimm.s32 $0x8F80  }
0x8: {  	v0 =	vsel vm14, $0x0, v0;
	v1 =	vsel vm14, $0x2800, v1;
	v2 =	vsel vm14, $0x5000, v2  }
0x9: {  	v3 =	vsel vm14, $0x7800, v3;
	v0 =	vsel vm13, $0x80, v0;
	v1 =	vsel vm13, $0x2880, v1  }
0xa: {  	v2 =	vsel vm13, $0x5080, v2;
	v3 =	vsel vm13, $0x7880, v3;
	v0 =	vsel vm12, $0x100, v0  }
0xb: {  	v1 =	vsel vm12, $0x2900, v1;
	v2 =	vsel vm12, $0x5100, v2;
	v3 =	vsel vm12, $0x7900, v3  }
0xc: {  	v0 =	vsel vm11, $0x180, v0;
	v1 =	vsel vm11, $0x2980, v1;
	v2 =	vsel vm11, $0x5180, v2  }
0xd: {  	v3 =	vsel vm11, $0x7980, v3;
	v0 =	vsel vm10, $0x200, v0;
	v1 =	vsel vm10, $0x2A00, v1  }
0xe: {  	s3 =	rddreg [dreg:$0x0];
	v2 =	vsel vm10, $0x5200, v2;
	v3 =	vsel vm10, $0x7A00, v3;
	v0 =	vsel vm9, $0x280, v0  }
0xf: {  	s4 =	rddreg [dreg:$0x1];
	s2 =	srdreg.scid;
	v1 =	vsel vm9, $0x2A80, v1;
	v2 =	vsel vm9, $0x5280, v2;
	v3 =	vsel vm9, $0x7A80, v3  }
0x10: {  	s0 =	rddreg [dreg:$0x2];
	s1 =	stileid.u32;
	v0 =	vsel vm8, $0x300, v0;
	v1 =	vsel vm8, $0x2B00, v1;
	v2 =	vsel vm8, $0x5300, v2  }
0x11: {  	s14 =	simm.s32 $0x3;
	s15 =	simm.s32 $0x200;
	s16 =	simm.s32 $0xA200;
	v3 =	vsel vm8, $0x7B00, v3;
	v0 =	vsel vm7, $0x380, v0;
	v1 =	vsel vm7, $0x2B80, v1  }
0x12: {  	s17 =	simm.s32 $0x1;
	s18 =	simm.s32 $0x2;
	s5 =	sand.u32 $0x1, s2;
	v2 =	vsel vm7, $0x5380, v2;
	v3 =	vsel vm7, $0x7B80, v3;
	v0 =	vsel vm6, $0x1400, v0  }
0x13: {  	s19 =	simm.s32 $0x14200;
	s6 =	sshll.u32 s1, $0x7;
	s7 =	sshll.u32 s5, $0x6;
	v1 =	vsel vm6, $0x3C00, v1;
	v2 =	vsel vm6, $0x6400, v2;
	v3 =	vsel vm6, $0x8C00, v3  }
0x14: {  	s2 =	simm.s32 $0x0;
	s8 =	sadd.s32 $0x800, s4;
	s6 =	sor.u32 s7, s6;
	v0 =	vsel vm5, $0x1480, v0;
	v1 =	vsel vm5, $0x3C80, v1;
	v2 =	vsel vm5, $0x6480, v2  }
0x15: {  	[smem:$0x7FF] =	sst s2;
	s5 =	ssub.s32 $0x2, s5;
	s7 =	smul.u32 $0x1400, s6;
	v3 =	vsel vm5, $0x8C80, v3;
	v0 =	vsel vm4, $0x1500, v0;
	v1 =	vsel vm4, $0x3D00, v1  }
0x16: {  	_ =	strace $0x80000047;
	s9 =	sshrl.u32 s5, $0x1;
	s10 =	smul.u32 $0x280, s6;
	v2 =	vsel vm4, $0x6500, v2;
	v3 =	vsel vm4, $0x8D00, v3;
	v0 =	vsel vm3, $0x1580, v0  }
0x17: {  	s12 =	sadd.s32 s6, s4;
	s13 =	ssub.s32 s5, s9;
	s3 =	sadd.s32 s3, s6;
	v1 =	vsel vm3, $0x3D80, v1;
	v2 =	vsel vm3, $0x6580, v2;
	v3 =	vsel vm3, $0x8D80, v3  }
0x18: {  	s12 =	sadd.s32 $0x140800, s12;
	s31 =	sshrl.u32 s7, $0x3;
	s4 =	sadd.s32 s8, s10;
	v0 =	vsel vm2, $0x1600, v0;
	v1 =	vsel vm2, $0x3E00, v1;
	v2 =	vsel vm2, $0x6600, v2  }
0x19: {  	s13 =	smax.u32 s13, $0x1;
	s11 =	sadd.s32 s8, s31;
	s5 =	sadd.s32 $0x1400, s4;
	v3 =	vsel vm2, $0x8E00, v3;
	v0 =	vsel vm1, $0x1680, v0;
	v1 =	vsel vm1, $0x3E80, v1  }
0x1a: {  	s6 =	sadd.s32 $0x2800, s11;
	s7 =	sadd.s32 $0x3C00, s11;
	s8 =	sadd.s32 $0x5000, s11;
	v2 =	vsel vm1, $0x6680, v2;
	v3 =	vsel vm1, $0x8E80, v3;
	v0 =	vsel vm0, $0x1700, v0  }
0x1b: {  	s9 =	sadd.s32 $0x6400, s11;
	s10 =	sadd.s32 $0x7800, s11;
	s11 =	sadd.s32 $0x8C00, s11;
	v1 =	vsel vm0, $0x3F00, v1;
	v2 =	vsel vm0, $0x6700, v2;
	v3 =	vsel vm0, $0x8F00, v3  }
.LBB2_1:
0x1c: {  	[tilespmem:s2], [sflag:$0x3] =	stream.linear.gather [hbm4b:s3+s2], $0x200, $0x38;
	[tilespmem:$0x14400] =	vst v63  }
0x1d: {  	_ =	swait.ge [sflag:s14], $0x200  }
0x1e: {  	[sflag:s14] =	ssyncset.done $0x0  }
0x1f: {  	[sflag:s14] =	ssyncadd.s32 $0xFFFFFE00  }
0x20: {  	[tilespmem:s15], [sflag:$0x1] =	stream.linear.gather [hbm4b:s4+s2], $0xA000, $0x38;
	[tilespmem:$0x14400] =	vst v63  }
0x21: {  	_ = 	snop  }
0x22: {  	[tilespmem:s16], [sflag:$0x2] =	stream.linear.gather [hbm4b:s5+s2], $0xA000, $0x38;
	[tilespmem:$0x14400] =	vst v63  }
0x23: {  	_ =	swait.ge [sflag:s17], $0xA000  }
0x24: {  	[sflag:s17] =	ssyncset.done $0x0  }
0x25: {  	[sflag:s17] =	ssyncadd.s32 $0xFFFF6000  }
0x26: {  	v4 =	vld [tilespmem:$0x0];
	_ =	sdelay $0x4  }
0x27: {  	v5 =	vshll.u32 v4, $0x3  }
0x28: {  	v6 =	vld [tilespmem:$0x10];
	v4 =	vand.u32 $0x7F, v4;
	v5 =	vand.u32 $0xFFFFFC00, v5  }
0x29: {  	v4 =	vor.u32 v4, v5  }
0x2a: {  	v4 =	vadd.s32 v0, v4;
	_ =	sdelay $0x2  }
0x2b: {  	v5 =	vshll.u32 v6, $0x3  }
0x2c: {  	v7 =	vld [tilespmem:$0x20];
	v6 =	vand.u32 $0x7F, v6;
	v5 =	vand.u32 $0xFFFFFC00, v5  }
0x2d: {  	v5 =	vor.u32 v6, v5;
	v4 =	vld.idx.msk [tilespmem:v4+s15+$0x0], $0xffff  }
0x2e: {  	v5 =	vadd.s32 v1, v5;
	_ =	sdelay $0x2  }
0x2f: {  	v26 =	vshll.u32 v7, $0x3  }
0x30: {  	v27 =	vld [tilespmem:$0x30];
	v6 =	vand.u32 $0xFFFFFC00, v26;
	[tilespmem:$0x14200] =	vst v4;
	v4 =	vand.u32 $0x7F, v7  }
0x31: {  	v5 =	vld.idx.msk [tilespmem:v5+s15+$0x0], $0xffff;
	v4 =	vor.u32 v4, v6  }
0x32: {  	v4 =	vadd.s32 v2, v4;
	_ =	sdelay $0x2  }
0x33: {  	v28 =	vshll.u32 v27, $0x3  }
0x34: {  	v6 =	vand.u32 $0xFFFFFC00, v28;
	[tilespmem:$0x14210] =	vst v5;
	v5 =	vand.u32 $0x7F, v27  }
0x35: {  	v4 =	vld.idx.msk [tilespmem:v4+s15+$0x0], $0xffff;
	v5 =	vor.u32 v5, v6  }
0x36: {  	v5 =	vadd.s32 v3, v5;
	_ =	sdelay $0x3  }
0x37: {  	[tilespmem:$0x14220] =	vst v4  }
0x38: {  	v4 =	vld.idx.msk [tilespmem:v5+s15+$0x0], $0xffff;
	_ =	sdelay $0x4  }
0x39: {  	[tilespmem:$0x14230] =	vst v4  }
0x3a: {  	[tilespmem:s15], [sflag:$0x1] =	stream.linear.gather [hbm4b:s6+s2], $0xA000, $0x38;
	[tilespmem:$0x14400] =	vst v63  }
0x3b: {  	_ =	swait.ge [sflag:s18], $0xA000  }
0x3c: {  	[sflag:s18] =	ssyncset.done $0x0  }
0x3d: {  	[sflag:s18] =	ssyncadd.s32 $0xFFFF6000  }
0x3e: {  	v4 =	vld [tilespmem:$0x40];
	_ =	sdelay $0x4  }
0x3f: {  	v5 =	vshll.u32 v4, $0x3  }
0x40: {  	v29 =	vld [tilespmem:$0x50];
	v4 =	vand.u32 $0x7F, v4;
	v5 =	vand.u32 $0xFFFFFC00, v5  }
0x41: {  	v4 =	vor.u32 v4, v5  }
0x42: {  	v4 =	vadd.s32 v0, v4;
	_ =	sdelay $0x2  }
0x43: {  	v5 =	vshll.u32 v29, $0x3  }
0x44: {  	v30 =	vld [tilespmem:$0x60];
	v6 =	vand.u32 $0x7F, v29;
	v5 =	vand.u32 $0xFFFFFC00, v5  }
0x45: {  	v5 =	vor.u32 v6, v5;
	v4 =	vld.idx.msk [tilespmem:v4+s16+$0x0], $0xffff  }
0x46: {  	v5 =	vadd.s32 v1, v5;
	_ =	sdelay $0x2  }
0x47: {  	v31 =	vshll.u32 v30, $0x3  }
0x48: {  	v32 =	vld [tilespmem:$0x70];
	v6 =	vand.u32 $0xFFFFFC00, v31;
	[tilespmem:$0x14240] =	vst v4;
	v4 =	vand.u32 $0x7F, v30  }
0x49: {  	v5 =	vld.idx.msk [tilespmem:v5+s16+$0x0], $0xffff;
	v4 =	vor.u32 v4, v6  }
0x4a: {  	v4 =	vadd.s32 v2, v4;
	_ =	sdelay $0x2  }
0x4b: {  	v33 =	vshll.u32 v32, $0x3  }
0x4c: {  	v6 =	vand.u32 $0xFFFFFC00, v33;
	[tilespmem:$0x14250] =	vst v5;
	v5 =	vand.u32 $0x7F, v32  }
0x4d: {  	v4 =	vld.idx.msk [tilespmem:v4+s16+$0x0], $0xffff;
	v5 =	vor.u32 v5, v6  }
0x4e: {  	v5 =	vadd.s32 v3, v5;
	_ =	sdelay $0x3  }
0x4f: {  	[tilespmem:$0x14260] =	vst v4  }
0x50: {  	v4 =	vld.idx.msk [tilespmem:v5+s16+$0x0], $0xffff;
	_ =	sdelay $0x4  }
0x51: {  	[tilespmem:$0x14270] =	vst v4  }
0x52: {  	[tilespmem:s16], [sflag:$0x2] =	stream.linear.gather [hbm4b:s7+s2], $0xA000, $0x38;
	[tilespmem:$0x14400] =	vst v63  }
0x53: {  	_ =	swait.ge [sflag:s17], $0xA000  }
0x54: {  	[sflag:s17] =	ssyncset.done $0x0  }
0x55: {  	[sflag:s17] =	ssyncadd.s32 $0xFFFF6000  }
0x56: {  	v4 =	vld [tilespmem:$0x80];
	_ =	sdelay $0x4  }
0x57: {  	v5 =	vshll.u32 v4, $0x3  }
0x58: {  	v34 =	vld [tilespmem:$0x90];
	v4 =	vand.u32 $0x7F, v4;
	v5 =	vand.u32 $0xFFFFFC00, v5  }
0x59: {  	v4 =	vor.u32 v4, v5  }
0x5a: {  	v4 =	vadd.s32 v0, v4;
	_ =	sdelay $0x2  }
0x5b: {  	v5 =	vshll.u32 v34, $0x3  }
0x5c: {  	v35 =	vld [tilespmem:$0xA0];
	v6 =	vand.u32 $0x7F, v34;
	v5 =	vand.u32 $0xFFFFFC00, v5  }
0x5d: {  	v5 =	vor.u32 v6, v5;
	v4 =	vld.idx.msk [tilespmem:v4+s15+$0x0], $0xffff  }
0x5e: {  	v5 =	vadd.s32 v1, v5;
	_ =	sdelay $0x2  }
0x5f: {  	v36 =	vshll.u32 v35, $0x3  }
0x60: {  	v37 =	vld [tilespmem:$0xB0];
	v6 =	vand.u32 $0xFFFFFC00, v36;
	[tilespmem:$0x14280] =	vst v4;
	v4 =	vand.u32 $0x7F, v35  }
0x61: {  	v5 =	vld.idx.msk [tilespmem:v5+s15+$0x0], $0xffff;
	v4 =	vor.u32 v4, v6  }
0x62: {  	v4 =	vadd.s32 v2, v4;
	_ =	sdelay $0x2  }
0x63: {  	v38 =	vshll.u32 v37, $0x3  }
0x64: {  	v6 =	vand.u32 $0xFFFFFC00, v38;
	[tilespmem:$0x14290] =	vst v5;
	v5 =	vand.u32 $0x7F, v37  }
0x65: {  	v4 =	vld.idx.msk [tilespmem:v4+s15+$0x0], $0xffff;
	v5 =	vor.u32 v5, v6  }
0x66: {  	v5 =	vadd.s32 v3, v5;
	_ =	sdelay $0x3  }
0x67: {  	[tilespmem:$0x142A0] =	vst v4  }
0x68: {  	v4 =	vld.idx.msk [tilespmem:v5+s15+$0x0], $0xffff;
	_ =	sdelay $0x4  }
0x69: {  	[tilespmem:$0x142B0] =	vst v4  }
0x6a: {  	[tilespmem:s15], [sflag:$0x1] =	stream.linear.gather [hbm4b:s8+s2], $0xA000, $0x38;
	[tilespmem:$0x14400] =	vst v63  }
0x6b: {  	_ =	swait.ge [sflag:s18], $0xA000  }
0x6c: {  	[sflag:s18] =	ssyncset.done $0x0  }
0x6d: {  	[sflag:s18] =	ssyncadd.s32 $0xFFFF6000  }
0x6e: {  	v4 =	vld [tilespmem:$0xC0];
	_ =	sdelay $0x4  }
0x6f: {  	v5 =	vshll.u32 v4, $0x3  }
0x70: {  	v39 =	vld [tilespmem:$0xD0];
	v4 =	vand.u32 $0x7F, v4;
	v5 =	vand.u32 $0xFFFFFC00, v5  }
0x71: {  	v4 =	vor.u32 v4, v5  }
0x72: {  	v4 =	vadd.s32 v0, v4;
	_ =	sdelay $0x2  }
0x73: {  	v5 =	vshll.u32 v39, $0x3  }
0x74: {  	v40 =	vld [tilespmem:$0xE0];
	v6 =	vand.u32 $0x7F, v39;
	v5 =	vand.u32 $0xFFFFFC00, v5  }
0x75: {  	v5 =	vor.u32 v6, v5;
	v4 =	vld.idx.msk [tilespmem:v4+s16+$0x0], $0xffff  }
0x76: {  	v5 =	vadd.s32 v1, v5;
	_ =	sdelay $0x2  }
0x77: {  	v41 =	vshll.u32 v40, $0x3  }
0x78: {  	v42 =	vld [tilespmem:$0xF0];
	v6 =	vand.u32 $0xFFFFFC00, v41;
	[tilespmem:$0x142C0] =	vst v4;
	v4 =	vand.u32 $0x7F, v40  }
0x79: {  	v5 =	vld.idx.msk [tilespmem:v5+s16+$0x0], $0xffff;
	v4 =	vor.u32 v4, v6  }
0x7a: {  	v4 =	vadd.s32 v2, v4;
	_ =	sdelay $0x2  }
0x7b: {  	v43 =	vshll.u32 v42, $0x3  }
0x7c: {  	v6 =	vand.u32 $0xFFFFFC00, v43;
	[tilespmem:$0x142D0] =	vst v5;
	v5 =	vand.u32 $0x7F, v42  }
0x7d: {  	v4 =	vld.idx.msk [tilespmem:v4+s16+$0x0], $0xffff;
	v5 =	vor.u32 v5, v6  }
0x7e: {  	v5 =	vadd.s32 v3, v5;
	_ =	sdelay $0x3  }
0x7f: {  	[tilespmem:$0x142E0] =	vst v4  }
0x80: {  	v4 =	vld.idx.msk [tilespmem:v5+s16+$0x0], $0xffff;
	_ =	sdelay $0x4  }
0x81: {  	[tilespmem:$0x142F0] =	vst v4  }
0x82: {  	[tilespmem:s16], [sflag:$0x2] =	stream.linear.gather [hbm4b:s9+s2], $0xA000, $0x38;
	[tilespmem:$0x14400] =	vst v63  }
0x83: {  	_ =	swait.ge [sflag:s17], $0xA000  }
0x84: {  	[sflag:s17] =	ssyncset.done $0x0  }
0x85: {  	[sflag:s17] =	ssyncadd.s32 $0xFFFF6000  }
0x86: {  	v4 =	vld [tilespmem:$0x100];
	_ =	sdelay $0x4  }
0x87: {  	v5 =	vshll.u32 v4, $0x3  }
0x88: {  	v44 =	vld [tilespmem:$0x110];
	v4 =	vand.u32 $0x7F, v4;
	v5 =	vand.u32 $0xFFFFFC00, v5  }
0x89: {  	v4 =	vor.u32 v4, v5  }
0x8a: {  	v4 =	vadd.s32 v0, v4;
	_ =	sdelay $0x2  }
0x8b: {  	v5 =	vshll.u32 v44, $0x3  }
0x8c: {  	v45 =	vld [tilespmem:$0x120];
	v6 =	vand.u32 $0x7F, v44;
	v5 =	vand.u32 $0xFFFFFC00, v5  }
0x8d: {  	v5 =	vor.u32 v6, v5;
	v4 =	vld.idx.msk [tilespmem:v4+s15+$0x0], $0xffff  }
0x8e: {  	v5 =	vadd.s32 v1, v5;
	_ =	sdelay $0x2  }
0x8f: {  	v46 =	vshll.u32 v45, $0x3  }
0x90: {  	v47 =	vld [tilespmem:$0x130];
	v6 =	vand.u32 $0xFFFFFC00, v46;
	[tilespmem:$0x14300] =	vst v4;
	v4 =	vand.u32 $0x7F, v45  }
0x91: {  	v5 =	vld.idx.msk [tilespmem:v5+s15+$0x0], $0xffff;
	v4 =	vor.u32 v4, v6  }
0x92: {  	v4 =	vadd.s32 v2, v4;
	_ =	sdelay $0x2  }
0x93: {  	v48 =	vshll.u32 v47, $0x3  }
0x94: {  	v6 =	vand.u32 $0xFFFFFC00, v48;
	[tilespmem:$0x14310] =	vst v5;
	v5 =	vand.u32 $0x7F, v47  }
0x95: {  	v4 =	vld.idx.msk [tilespmem:v4+s15+$0x0], $0xffff;
	v5 =	vor.u32 v5, v6  }
0x96: {  	v5 =	vadd.s32 v3, v5;
	_ =	sdelay $0x3  }
0x97: {  	[tilespmem:$0x14320] =	vst v4  }
0x98: {  	v4 =	vld.idx.msk [tilespmem:v5+s15+$0x0], $0xffff;
	_ =	sdelay $0x4  }
0x99: {  	[tilespmem:$0x14330] =	vst v4  }
0x9a: {  	[tilespmem:s15], [sflag:$0x1] =	stream.linear.gather [hbm4b:s10+s2], $0xA000, $0x38;
	[tilespmem:$0x14400] =	vst v63  }
0x9b: {  	_ =	swait.ge [sflag:s18], $0xA000  }
0x9c: {  	[sflag:s18] =	ssyncset.done $0x0  }
0x9d: {  	[sflag:s18] =	ssyncadd.s32 $0xFFFF6000  }
0x9e: {  	v4 =	vld [tilespmem:$0x140];
	_ =	sdelay $0x4  }
0x9f: {  	v5 =	vshll.u32 v4, $0x3  }
0xa0: {  	v49 =	vld [tilespmem:$0x150];
	v4 =	vand.u32 $0x7F, v4;
	v5 =	vand.u32 $0xFFFFFC00, v5  }
0xa1: {  	v4 =	vor.u32 v4, v5  }
0xa2: {  	v4 =	vadd.s32 v0, v4;
	_ =	sdelay $0x2  }
0xa3: {  	v5 =	vshll.u32 v49, $0x3  }
0xa4: {  	v50 =	vld [tilespmem:$0x160];
	v6 =	vand.u32 $0x7F, v49;
	v5 =	vand.u32 $0xFFFFFC00, v5  }
0xa5: {  	v5 =	vor.u32 v6, v5;
	v4 =	vld.idx.msk [tilespmem:v4+s16+$0x0], $0xffff  }
0xa6: {  	v5 =	vadd.s32 v1, v5;
	_ =	sdelay $0x2  }
0xa7: {  	v51 =	vshll.u32 v50, $0x3  }
0xa8: {  	v52 =	vld [tilespmem:$0x170];
	v6 =	vand.u32 $0xFFFFFC00, v51;
	[tilespmem:$0x14340] =	vst v4;
	v4 =	vand.u32 $0x7F, v50  }
0xa9: {  	v5 =	vld.idx.msk [tilespmem:v5+s16+$0x0], $0xffff;
	v4 =	vor.u32 v4, v6  }
0xaa: {  	v4 =	vadd.s32 v2, v4;
	_ =	sdelay $0x2  }
0xab: {  	v53 =	vshll.u32 v52, $0x3  }
0xac: {  	v6 =	vand.u32 $0xFFFFFC00, v53;
	[tilespmem:$0x14350] =	vst v5;
	v5 =	vand.u32 $0x7F, v52  }
0xad: {  	v4 =	vld.idx.msk [tilespmem:v4+s16+$0x0], $0xffff;
	v5 =	vor.u32 v5, v6  }
0xae: {  	v5 =	vadd.s32 v3, v5;
	_ =	sdelay $0x3  }
0xaf: {  	[tilespmem:$0x14360] =	vst v4  }
0xb0: {  	v4 =	vld.idx.msk [tilespmem:v5+s16+$0x0], $0xffff;
	_ =	sdelay $0x4  }
0xb1: {  	[tilespmem:$0x14370] =	vst v4  }
0xb2: {  	[tilespmem:s16], [sflag:$0x2] =	stream.linear.gather [hbm4b:s11+s2], $0xA000, $0x38;
	[tilespmem:$0x14400] =	vst v63  }
0xb3: {  	_ =	swait.ge [sflag:s17], $0xA000  }
0xb4: {  	[sflag:s17] =	ssyncset.done $0x0  }
0xb5: {  	[sflag:s17] =	ssyncadd.s32 $0xFFFF6000  }
0xb6: {  	v4 =	vld [tilespmem:$0x180];
	_ =	sdelay $0x4  }
0xb7: {  	v5 =	vshll.u32 v4, $0x3  }
0xb8: {  	v54 =	vld [tilespmem:$0x190];
	v4 =	vand.u32 $0x7F, v4;
	v5 =	vand.u32 $0xFFFFFC00, v5  }
0xb9: {  	v4 =	vor.u32 v4, v5  }
0xba: {  	v4 =	vadd.s32 v0, v4;
	_ =	sdelay $0x2  }
0xbb: {  	v5 =	vshll.u32 v54, $0x3  }
0xbc: {  	v55 =	vld [tilespmem:$0x1A0];
	v6 =	vand.u32 $0x7F, v54;
	v5 =	vand.u32 $0xFFFFFC00, v5  }
0xbd: {  	v5 =	vor.u32 v6, v5;
	v4 =	vld.idx.msk [tilespmem:v4+s15+$0x0], $0xffff  }
0xbe: {  	v5 =	vadd.s32 v1, v5;
	_ =	sdelay $0x2  }
0xbf: {  	v56 =	vshll.u32 v55, $0x3  }
0xc0: {  	v57 =	vld [tilespmem:$0x1B0];
	v6 =	vand.u32 $0xFFFFFC00, v56;
	[tilespmem:$0x14380] =	vst v4;
	v4 =	vand.u32 $0x7F, v55  }
0xc1: {  	v5 =	vld.idx.msk [tilespmem:v5+s15+$0x0], $0xffff;
	v4 =	vor.u32 v4, v6  }
0xc2: {  	v4 =	vadd.s32 v2, v4;
	_ =	sdelay $0x2  }
0xc3: {  	v58 =	vshll.u32 v57, $0x3  }
0xc4: {  	v6 =	vand.u32 $0xFFFFFC00, v58;
	[tilespmem:$0x14390] =	vst v5;
	v5 =	vand.u32 $0x7F, v57  }
0xc5: {  	v4 =	vld.idx.msk [tilespmem:v4+s15+$0x0], $0xffff;
	v5 =	vor.u32 v5, v6  }
0xc6: {  	v5 =	vadd.s32 v3, v5;
	_ =	sdelay $0x3  }
0xc7: {  	[tilespmem:$0x143A0] =	vst v4  }
0xc8: {  	v4 =	vld.idx.msk [tilespmem:v5+s15+$0x0], $0xffff;
	_ =	sdelay $0x4  }
0xc9: {  	[tilespmem:$0x143B0] =	vst v4  }
0xca: {  	_ =	swait.ge [sflag:s18], $0xA000  }
0xcb: {  	[sflag:s18] =	ssyncset.done $0x0  }
0xcc: {  	[sflag:s18] =	ssyncadd.s32 $0xFFFF6000  }
0xcd: {  	v4 =	vld [tilespmem:$0x1C0];
	_ =	sdelay $0x4  }
0xce: {  	v5 =	vshll.u32 v4, $0x3  }
0xcf: {  	v59 =	vld [tilespmem:$0x1D0];
	v4 =	vand.u32 $0x7F, v4;
	v5 =	vand.u32 $0xFFFFFC00, v5  }
0xd0: {  	v4 =	vor.u32 v4, v5  }
0xd1: {  	v4 =	vadd.s32 v0, v4;
	_ =	sdelay $0x2  }
0xd2: {  	v5 =	vshll.u32 v59, $0x3  }
0xd3: {  	v60 =	vld [tilespmem:$0x1E0];
	v6 =	vand.u32 $0x7F, v59;
	v5 =	vand.u32 $0xFFFFFC00, v5  }
0xd4: {  	v5 =	vor.u32 v6, v5;
	v4 =	vld.idx.msk [tilespmem:v4+s16+$0x0], $0xffff  }
0xd5: {  	v5 =	vadd.s32 v1, v5;
	_ =	sdelay $0x2  }
0xd6: {  	v61 =	vshll.u32 v60, $0x3  }
0xd7: {  	v62 =	vld [tilespmem:$0x1F0];
	v6 =	vand.u32 $0xFFFFFC00, v61;
	[tilespmem:$0x143C0] =	vst v4;
	v4 =	vand.u32 $0x7F, v60  }
0xd8: {  	v5 =	vld.idx.msk [tilespmem:v5+s16+$0x0], $0xffff;
	v4 =	vor.u32 v4, v6  }
0xd9: {  	v4 =	vadd.s32 v2, v4;
	_ =	sdelay $0x2  }
0xda: {  	v63 =	vshll.u32 v62, $0x3  }
0xdb: {  	v6 =	vand.u32 $0xFFFFFC00, v63;
	[tilespmem:$0x143D0] =	vst v5;
	v5 =	vand.u32 $0x7F, v62  }
0xdc: {  	v5 =	vor.u32 v5, v6;
	v4 =	vld.idx.msk [tilespmem:v4+s16+$0x0], $0xffff  }
0xdd: {  	v5 =	vadd.s32 v3, v5;
	_ =	sdelay $0x3  }
0xde: {  	[tilespmem:$0x143E0] =	vst v4  }
0xdf: {  	v4 =	vld.idx.msk [tilespmem:v5+s16+$0x0], $0xffff;
	_ =	sdelay $0x3  }
0xe0: {  	p0 =	sne.s32 s13, $0x1  }
.Ltmp0:
0xe1: {  	[tilespmem:$0x143F0] =	vst v4;
	(pc) =	sbr.rel @p0 .LBB2_1-.Ltmp0, $4  }
0xe2: {  	[hbm4b:s12+s2] =	stream.linear.scatter [tilespmem:s19], [sflag:$0x3], $0x200, $0x38;
	[tilespmem:$0x14400] =	vst v63  }
0xe3: {  	_ =	swait.ge [sflag:s14], $0x200  }
0xe4: {  	[sflag:s14] =	ssyncset.done $0x0  }
0xe5: {  	s13 =	sadd.s32 $0xFFFFFFFF, s13;
	[sflag:s14] =	ssyncadd.s32 $0xFFFFFE00  }
0xe6: {  	_ =	sfence.sel $0x180000  }
0xe7: {  	[bflag:$0x0] =	sbarrier.arrive $0xFFFF  }
0xe8: {  	p0 =	sne.s32 s1, $0x0;
	_ =	strace $0x90000047  }
0xe9: {  	s0 =	sadd.s32 @!p0 $0x100000, s0;
	[bflag:$0x2] =	sbarrier.arrive $0xFFFF  }
0xea: {  	[sflag:s0] =	ssyncadd.tile.s32 @!p0 $0x1;
	_ =	shalt  }
.Lfunc_end2:
_tile_overlayer_lowered:
.L_overlay_start_2:
0xeb: {  	(tag) =	ssettag $0x2  }
0xec: {  	s0 =	rddreg [dreg:$0x0];
	s2 =	stileid.u32  }
0xed: {  	s1 =	rddreg [dreg:$0x1];
	p0 =	sne.s32 s2, $0x0  }
0xee: {  	s3 =	rddreg [dreg:$0x2];
	[bflag:$0x3] =	sbarrier.arrive $0xFFFF;
	s2 =	simm.s32 @!p0 $0x1C03  }
0xef: {  	[timem:s3], [sflag:s2] =	dma.local @!p0 [hbm:s0], s1  }
0xf0: {  	s0 =	simm.s32 @!p0 $0x3  }
0xf1: {  	_ =	swait.ge @!p0 [sflag:s0], s1  }
0xf2: {  	s1 =	ssub.s32 @!p0 $0x0, s1;
	[sflag:s0] =	ssyncset.done @!p0 $0x0  }
0xf3: {  	[sflag:s0] =	ssyncadd.s32 @!p0 s1  }
0xf4: {  	[bflag:$0x3] =	sbarrier.arrive $0xFFFF  }
0xf5: {  	_ =	shalt  }

</sc_bundles>
